<compile_context>
chip_gen: v7x
topology: tpu7x:2x2x1
jax: 0.10.2.dev20260603
libtpu: 0.0.44.dev20260713+nightly
codegen_flags: <defaults>
</compile_context>

<pallas_src>
import functools

import jax
import jax.numpy as jnp
from jax import lax
from jax.experimental import pallas as pl
from jax.experimental.pallas import tpu as pltpu
from jax.experimental.pallas import tpu_sc as plsc

_BLK = 8
_KEEP = 4

_N = 4096
_NW = 32
_NV = _N // 16

_SC_ROWS = 1536
_TC_TM = 3328
_TC_TN = 128


def _key2d(s):
    b = jax.lax.bitcast_convert_type(jnp.where(s == 0.0, 0.0, s), jnp.int32)
    return b ^ jax.lax.shift_right_logical(jax.lax.shift_right_arithmetic(b, 31), 1)



def _wgroll(a, k):
    n = a.shape[-1]
    idx = (jnp.arange(n) // _BLK) * _BLK + (jnp.arange(n) - k) % _BLK
    idx = jnp.broadcast_to(idx[None, :], a.shape)
    return jnp.take_along_axis(a, idx, axis=-1)


def _tc_kernel_body(x_ref, s_ref, o_ref):
    s = s_ref[...]
    x = x_ref[...]
    key = _key2d(s)
    key1 = key + 1
    lane = jax.lax.broadcasted_iota(jnp.int32, s.shape, 1) % _BLK
    rank = jnp.zeros(s.shape, jnp.float32)
    for k in range(1, 5):
        t = _wgroll(key, k)
        c = t < jnp.where(lane >= k, key1, key)
        cf = jnp.where(c, 1.0, 0.0)
        rank = rank + cf
        if k < 4:
            rank = rank - _wgroll(cf, -k)
    o_ref[...] = jnp.where(rank >= 1.0, x, 0.0)


def _tc_call(x, score, rows):
    m, n = x.shape
    grid = (rows // _TC_TM, n // _TC_TN)
    spec = pl.BlockSpec((_TC_TM, _TC_TN), lambda i, j: (i, j))
    return pl.pallas_call(
        _tc_kernel_body,
        grid=grid,
        in_specs=[spec, spec],
        out_specs=spec,
        out_shape=jax.ShapeDtypeStruct((m, n), x.dtype),
        compiler_params=pltpu.CompilerParams(
            dimension_semantics=("parallel", "parallel"),
        ),
    )(x, score)



def _sc_body(row0, rpw, x_hbm, s_hbm, o_hbm, sbuf, xbuf, obuf):
    cid = lax.axis_index("c")
    sid = lax.axis_index("s")
    wid = sid * 2 + cid

    i16 = lax.iota(jnp.int32, 16)
    lane = i16 & (_BLK - 1)
    group = i16 & ~(_BLK - 1)
    perms = [group + ((i16 - k) & (_BLK - 1)) for k in range(1, _BLK)]
    padds = [jnp.where(lane >= k, 1, 0) for k in range(1, _BLK)]

    def row_loop(r, carry):
        orow = wid * rpw + r
        irow = row0 + orow
        pltpu.sync_copy(s_hbm.at[irow], sbuf)
        pltpu.sync_copy(x_hbm.at[irow], xbuf)

        def vec_loop(j, c2):
            base = j * 16
            key = _key2d(sbuf[pl.ds(base, 16)])
            rank = jnp.zeros((16,), jnp.int32)
            for k in range(1, _BLK):
                t = key.at[perms[k - 1]].get(mode="promise_in_bounds")
                ck = t < key + padds[k - 1]
                rank = rank + jnp.where(ck, 1, 0)
            xv = xbuf[pl.ds(base, 16)]
            obuf[pl.ds(base, 16)] = jnp.where(rank >= _BLK - _KEEP, xv, 0.0)
            return c2

        lax.fori_loop(0, _NV, vec_loop, 0)
        pltpu.sync_copy(obuf, o_hbm.at[orow])
        return carry

    lax.fori_loop(0, rpw, row_loop, 0)


def _sc_call(x, score, row0, rows):
    n = x.shape[1]
    mesh = plsc.VectorSubcoreMesh(core_axis_name="c", subcore_axis_name="s")
    f = functools.partial(
        pl.kernel,
        mesh=mesh,
        out_type=jax.ShapeDtypeStruct((rows, n), jnp.float32),
        scratch_types=[
            pltpu.VMEM((n,), jnp.float32),
            pltpu.VMEM((n,), jnp.float32),
            pltpu.VMEM((n,), jnp.float32),
        ],
    )(functools.partial(_sc_body, row0, rows // _NW))
    return f(x, score)


def kernel(x, score):
    m = x.shape[0]
    r = m - _SC_ROWS
    z = _sc_call(x, score, r, _SC_ROWS)
    y = _tc_call(x, score, r)
    return lax.dynamic_update_slice(y, z, (r, 0))

# --- scband reference (transcript-rebuilt; emitter-appended) ---
"""Pipeline reference for scband-sparsify-72258529788638 (READ-ONLY COPY).

The authoritative reference and input builder live on the scoring server;
editing this copy changes nothing except your own understanding.
"""

import jax, jax.numpy as jnp
import numpy as np

K = 4
BLOCK_SIZE = 8


def block_topk_mask(score):
    # block_dim = -1, so transpose(block_dim, -1) is identity
    s = score.reshape(-1, BLOCK_SIZE)
    # torch.argsort ascending; zero out the lowest (BLOCK_SIZE - K) entries per block
    idx = jnp.argsort(s, axis=1)[:, : BLOCK_SIZE - K]
    rows = jnp.arange(s.shape[0])[:, None]
    mask = jnp.ones_like(s).at[rows, idx].set(0.0)
    return mask.reshape(score.shape)


def setup_inputs(seed: int = 0) -> dict:
    key = jax.random.key(seed)
    k1, k2 = jax.random.split(key)
    x = jax.random.normal(k1, (8192, 4096), dtype=jnp.float32)
    # score is the learned nn.Parameter of shape tensor_shape
    score = jax.random.normal(k2, (8192, 4096), dtype=jnp.float32)
    return {"x": x, "score": score}


def reference(x, score):
    # Sparsify.forward in training mode with BlockTopK sparseness:
    #   mask = sparseness.get_mask(score); out = x * mask
    mask = block_topk_mask(score)
    return x * mask

if __name__ == "__main__":
    import jax
    _d = setup_inputs()
    print(jax.jit(kernel)(*tuple(_d.values())))

</pallas_src>

<mosaic_0001>
#map = affine_map<(d0, d1) -> (0, 0)>
module attributes {stable_mosaic.version = 14 : i64} {
  func.func @_sc_body(%arg0: i32, %arg1: i32, %arg2: memref<8192x4096xf32, #tpu.memory_space<hbm>>, %arg3: memref<8192x4096xf32, #tpu.memory_space<hbm>>, %arg4: memref<1536x4096xf32, #tpu.memory_space<hbm>>, %arg5: memref<4096xf32, #tpu.memory_space<vmem>>, %arg6: memref<4096xf32, #tpu.memory_space<vmem>>, %arg7: memref<4096xf32, #tpu.memory_space<vmem>>) attributes {dimension_semantics = [#tpu.dimension_semantics<core_parallel>, #tpu.dimension_semantics<subcore_parallel>], iteration_bounds = array<i64: 2, 16>, scalar_prefetch = 0 : i64, scratch_operands = 3 : i64, tpu.core_type = #tpu.core_type<sc_vector_subcore>, window_params = [{transform_indices = #map}, {transform_indices = #map}, {transform_indices = #map}]} {
    %mul3A = arith.constant 2 : i32
    %mul3A_0 = arith.muli %arg1, %mul3A : i32
    %add3A = arith.addi %mul3A_0, %arg0 : i32
    %iota3A = tpu.iota {dimensions = array<i32: 0>} : vector<16xi32>
    %and3A = arith.constant 7 : i32
    %and3A_1 = vector.broadcast %and3A : i32 to vector<16xi32>
    %and3A_2 = arith.andi %iota3A, %and3A_1 : vector<16xi32>
    %and3A_3 = arith.constant -8 : i32
    %and3A_4 = vector.broadcast %and3A_3 : i32 to vector<16xi32>
    %and3A_5 = arith.andi %iota3A, %and3A_4 : vector<16xi32>
    %sub3A = arith.constant 1 : i32
    %sub3A_6 = vector.broadcast %sub3A : i32 to vector<16xi32>
    %sub3A_7 = arith.subi %iota3A, %sub3A_6 : vector<16xi32>
    %and3A_8 = arith.constant 7 : i32
    %and3A_9 = vector.broadcast %and3A_8 : i32 to vector<16xi32>
    %and3A_10 = arith.andi %sub3A_7, %and3A_9 : vector<16xi32>
    %add3A_11 = arith.addi %and3A_5, %and3A_10 : vector<16xi32>
    %sub3A_12 = arith.constant 2 : i32
    %sub3A_13 = vector.broadcast %sub3A_12 : i32 to vector<16xi32>
    %sub3A_14 = arith.subi %iota3A, %sub3A_13 : vector<16xi32>
    %and3A_15 = arith.constant 7 : i32
    %and3A_16 = vector.broadcast %and3A_15 : i32 to vector<16xi32>
    %and3A_17 = arith.andi %sub3A_14, %and3A_16 : vector<16xi32>
    %add3A_18 = arith.addi %and3A_5, %and3A_17 : vector<16xi32>
    %sub3A_19 = arith.constant 3 : i32
    %sub3A_20 = vector.broadcast %sub3A_19 : i32 to vector<16xi32>
    %sub3A_21 = arith.subi %iota3A, %sub3A_20 : vector<16xi32>
    %and3A_22 = arith.constant 7 : i32
    %and3A_23 = vector.broadcast %and3A_22 : i32 to vector<16xi32>
    %and3A_24 = arith.andi %sub3A_21, %and3A_23 : vector<16xi32>
    %add3A_25 = arith.addi %and3A_5, %and3A_24 : vector<16xi32>
    %sub3A_26 = arith.constant 4 : i32
    %sub3A_27 = vector.broadcast %sub3A_26 : i32 to vector<16xi32>
    %sub3A_28 = arith.subi %iota3A, %sub3A_27 : vector<16xi32>
    %and3A_29 = arith.constant 7 : i32
    %and3A_30 = vector.broadcast %and3A_29 : i32 to vector<16xi32>
    %and3A_31 = arith.andi %sub3A_28, %and3A_30 : vector<16xi32>
    %add3A_32 = arith.addi %and3A_5, %and3A_31 : vector<16xi32>
    %sub3A_33 = arith.constant 5 : i32
    %sub3A_34 = vector.broadcast %sub3A_33 : i32 to vector<16xi32>
    %sub3A_35 = arith.subi %iota3A, %sub3A_34 : vector<16xi32>
    %and3A_36 = arith.constant 7 : i32
    %and3A_37 = vector.broadcast %and3A_36 : i32 to vector<16xi32>
    %and3A_38 = arith.andi %sub3A_35, %and3A_37 : vector<16xi32>
    %add3A_39 = arith.addi %and3A_5, %and3A_38 : vector<16xi32>
    %sub3A_40 = arith.constant 6 : i32
    %sub3A_41 = vector.broadcast %sub3A_40 : i32 to vector<16xi32>
    %sub3A_42 = arith.subi %iota3A, %sub3A_41 : vector<16xi32>
    %and3A_43 = arith.constant 7 : i32
    %and3A_44 = vector.broadcast %and3A_43 : i32 to vector<16xi32>
    %and3A_45 = arith.andi %sub3A_42, %and3A_44 : vector<16xi32>
    %add3A_46 = arith.addi %and3A_5, %and3A_45 : vector<16xi32>
    %sub3A_47 = arith.constant 7 : i32
    %sub3A_48 = vector.broadcast %sub3A_47 : i32 to vector<16xi32>
    %sub3A_49 = arith.subi %iota3A, %sub3A_48 : vector<16xi32>
    %and3A_50 = arith.constant 7 : i32
    %and3A_51 = vector.broadcast %and3A_50 : i32 to vector<16xi32>
    %and3A_52 = arith.andi %sub3A_49, %and3A_51 : vector<16xi32>
    %add3A_53 = arith.addi %and3A_5, %and3A_52 : vector<16xi32>
    %ge3A = arith.constant 1 : i32
    %ge3A_54 = vector.broadcast %ge3A : i32 to vector<16xi32>
    %ge3A_55 = arith.cmpi sge, %and3A_2, %ge3A_54 : vector<16xi32>
    %jit3A = arith.constant 1 : i32
    %jit3A_56 = arith.constant 0 : i32
    %broadcast_in_dim3A = vector.broadcast %jit3A : i32 to vector<16xi32>
    %broadcast_in_dim3A_57 = vector.broadcast %jit3A_56 : i32 to vector<16xi32>
    %select_n3A = arith.select %ge3A_55, %broadcast_in_dim3A, %broadcast_in_dim3A_57 : vector<16xi1>, vector<16xi32>
    %ge3A_58 = arith.constant 2 : i32
    %ge3A_59 = vector.broadcast %ge3A_58 : i32 to vector<16xi32>
    %ge3A_60 = arith.cmpi sge, %and3A_2, %ge3A_59 : vector<16xi32>
    %jit3A_61 = arith.constant 1 : i32
    %jit3A_62 = arith.constant 0 : i32
    %broadcast_in_dim3A_63 = vector.broadcast %jit3A_61 : i32 to vector<16xi32>
    %broadcast_in_dim3A_64 = vector.broadcast %jit3A_62 : i32 to vector<16xi32>
    %select_n3A_65 = arith.select %ge3A_60, %broadcast_in_dim3A_63, %broadcast_in_dim3A_64 : vector<16xi1>, vector<16xi32>
    %ge3A_66 = arith.constant 3 : i32
    %ge3A_67 = vector.broadcast %ge3A_66 : i32 to vector<16xi32>
    %ge3A_68 = arith.cmpi sge, %and3A_2, %ge3A_67 : vector<16xi32>
    %jit3A_69 = arith.constant 1 : i32
    %jit3A_70 = arith.constant 0 : i32
    %broadcast_in_dim3A_71 = vector.broadcast %jit3A_69 : i32 to vector<16xi32>
    %broadcast_in_dim3A_72 = vector.broadcast %jit3A_70 : i32 to vector<16xi32>
    %select_n3A_73 = arith.select %ge3A_68, %broadcast_in_dim3A_71, %broadcast_in_dim3A_72 : vector<16xi1>, vector<16xi32>
    %ge3A_74 = arith.constant 4 : i32
    %ge3A_75 = vector.broadcast %ge3A_74 : i32 to vector<16xi32>
    %ge3A_76 = arith.cmpi sge, %and3A_2, %ge3A_75 : vector<16xi32>
    %jit3A_77 = arith.constant 1 : i32
    %jit3A_78 = arith.constant 0 : i32
    %broadcast_in_dim3A_79 = vector.broadcast %jit3A_77 : i32 to vector<16xi32>
    %broadcast_in_dim3A_80 = vector.broadcast %jit3A_78 : i32 to vector<16xi32>
    %select_n3A_81 = arith.select %ge3A_76, %broadcast_in_dim3A_79, %broadcast_in_dim3A_80 : vector<16xi1>, vector<16xi32>
    %ge3A_82 = arith.constant 5 : i32
    %ge3A_83 = vector.broadcast %ge3A_82 : i32 to vector<16xi32>
    %ge3A_84 = arith.cmpi sge, %and3A_2, %ge3A_83 : vector<16xi32>
    %jit3A_85 = arith.constant 1 : i32
    %jit3A_86 = arith.constant 0 : i32
    %broadcast_in_dim3A_87 = vector.broadcast %jit3A_85 : i32 to vector<16xi32>
    %broadcast_in_dim3A_88 = vector.broadcast %jit3A_86 : i32 to vector<16xi32>
    %select_n3A_89 = arith.select %ge3A_84, %broadcast_in_dim3A_87, %broadcast_in_dim3A_88 : vector<16xi1>, vector<16xi32>
    %ge3A_90 = arith.constant 6 : i32
    %ge3A_91 = vector.broadcast %ge3A_90 : i32 to vector<16xi32>
    %ge3A_92 = arith.cmpi sge, %and3A_2, %ge3A_91 : vector<16xi32>
    %jit3A_93 = arith.constant 1 : i32
    %jit3A_94 = arith.constant 0 : i32
    %broadcast_in_dim3A_95 = vector.broadcast %jit3A_93 : i32 to vector<16xi32>
    %broadcast_in_dim3A_96 = vector.broadcast %jit3A_94 : i32 to vector<16xi32>
    %select_n3A_97 = arith.select %ge3A_92, %broadcast_in_dim3A_95, %broadcast_in_dim3A_96 : vector<16xi1>, vector<16xi32>
    %ge3A_98 = arith.constant 7 : i32
    %ge3A_99 = vector.broadcast %ge3A_98 : i32 to vector<16xi32>
    %ge3A_100 = arith.cmpi sge, %and3A_2, %ge3A_99 : vector<16xi32>
    %jit3A_101 = arith.constant 1 : i32
    %jit3A_102 = arith.constant 0 : i32
    %broadcast_in_dim3A_103 = vector.broadcast %jit3A_101 : i32 to vector<16xi32>
    %broadcast_in_dim3A_104 = vector.broadcast %jit3A_102 : i32 to vector<16xi32>
    %select_n3A_105 = arith.select %ge3A_100, %broadcast_in_dim3A_103, %broadcast_in_dim3A_104 : vector<16xi1>, vector<16xi32>
    %scan3A = arith.constant 0 : i32
    %scan3A_106 = arith.constant 0 : i32
    %scan3A_107 = arith.constant 48 : i32
    %scan3A_108 = arith.addi %scan3A_106, %scan3A_107 : i32
    %scan3A_109 = arith.constant 1 : i32
    scf.for %scan3A_111 = %scan3A_106 to %scan3A_108 step %scan3A_109  : i32 {
      %mul3A_112 = arith.constant 48 : i32
      %mul3A_113 = arith.muli %add3A, %mul3A_112 : i32
      %add3A_114 = arith.addi %mul3A_113, %scan3A_111 : i32
      %add3A_115 = arith.constant 6656 : i32
      %add3A_116 = arith.addi %add3A_115, %add3A_114 : i32
      "tpu.region"() ({
        %run_scoped3A = tpu.sem_alloc : memref<!tpu.dma_semaphore, #tpu.memory_space<semaphore_mem>>
        %dma_start3A = arith.constant 0 : i32
        %dma_start3A_123 = tpu.memref_slice %arg3[%add3A_116, %dma_start3A] : memref<8192x4096xf32, #tpu.memory_space<hbm>> -> memref<1x4096xf32, #tpu.memory_space<hbm>>
        %dma_start3A_124 = tpu.memref_squeeze %dma_start3A_123 : memref<1x4096xf32, #tpu.memory_space<hbm>> -> memref<4096xf32, #tpu.memory_space<hbm>>
        %dma_start3A_125 = arith.constant 0 : i32
        %dma_start3A_126 = tpu.memref_slice %arg3[%add3A_116, %dma_start3A_125] : memref<8192x4096xf32, #tpu.memory_space<hbm>> -> memref<1x4096xf32, #tpu.memory_space<hbm>>
        %dma_start3A_127 = tpu.memref_squeeze %dma_start3A_126 : memref<1x4096xf32, #tpu.memory_space<hbm>> -> memref<4096xf32, #tpu.memory_space<hbm>>
        tpu.enqueue_dma source(%dma_start3A_127 : memref<4096xf32, #tpu.memory_space<hbm>>) target(%arg5 : memref<4096xf32, #tpu.memory_space<vmem>>) target_semaphore(%run_scoped3A : memref<!tpu.dma_semaphore, #tpu.memory_space<semaphore_mem>>)
        %dma_wait3A = arith.constant 0 : i32
        %dma_wait3A_128 = tpu.memref_slice %arg3[%add3A_116, %dma_wait3A] : memref<8192x4096xf32, #tpu.memory_space<hbm>> -> memref<1x4096xf32, #tpu.memory_space<hbm>>
        %dma_wait3A_129 = tpu.memref_squeeze %dma_wait3A_128 : memref<1x4096xf32, #tpu.memory_space<hbm>> -> memref<4096xf32, #tpu.memory_space<hbm>>
        %dma_wait3A_130 = arith.constant 0 : i32
        %dma_wait3A_131 = tpu.memref_slice %arg3[%add3A_116, %dma_wait3A_130] : memref<8192x4096xf32, #tpu.memory_space<hbm>> -> memref<1x4096xf32, #tpu.memory_space<hbm>>
        %dma_wait3A_132 = tpu.memref_squeeze %dma_wait3A_131 : memref<1x4096xf32, #tpu.memory_space<hbm>> -> memref<4096xf32, #tpu.memory_space<hbm>>
        tpu.wait_dma2 semaphore(%run_scoped3A : memref<!tpu.dma_semaphore, #tpu.memory_space<semaphore_mem>>) src(%dma_wait3A_132 : memref<4096xf32, #tpu.memory_space<hbm>>) dst(%arg5 : memref<4096xf32, #tpu.memory_space<vmem>>)
        tpu.yield
      }) : () -> ()
      "tpu.region"() ({
        %run_scoped3A = tpu.sem_alloc : memref<!tpu.dma_semaphore, #tpu.memory_space<semaphore_mem>>
        %dma_start3A = arith.constant 0 : i32
        %dma_start3A_123 = tpu.memref_slice %arg2[%add3A_116, %dma_start3A] : memref<8192x4096xf32, #tpu.memory_space<hbm>> -> memref<1x4096xf32, #tpu.memory_space<hbm>>
        %dma_start3A_124 = tpu.memref_squeeze %dma_start3A_123 : memref<1x4096xf32, #tpu.memory_space<hbm>> -> memref<4096xf32, #tpu.memory_space<hbm>>
        %dma_start3A_125 = arith.constant 0 : i32
        %dma_start3A_126 = tpu.memref_slice %arg2[%add3A_116, %dma_start3A_125] : memref<8192x4096xf32, #tpu.memory_space<hbm>> -> memref<1x4096xf32, #tpu.memory_space<hbm>>
        %dma_start3A_127 = tpu.memref_squeeze %dma_start3A_126 : memref<1x4096xf32, #tpu.memory_space<hbm>> -> memref<4096xf32, #tpu.memory_space<hbm>>
        tpu.enqueue_dma source(%dma_start3A_127 : memref<4096xf32, #tpu.memory_space<hbm>>) target(%arg6 : memref<4096xf32, #tpu.memory_space<vmem>>) target_semaphore(%run_scoped3A : memref<!tpu.dma_semaphore, #tpu.memory_space<semaphore_mem>>)
        %dma_wait3A = arith.constant 0 : i32
        %dma_wait3A_128 = tpu.memref_slice %arg2[%add3A_116, %dma_wait3A] : memref<8192x4096xf32, #tpu.memory_space<hbm>> -> memref<1x4096xf32, #tpu.memory_space<hbm>>
        %dma_wait3A_129 = tpu.memref_squeeze %dma_wait3A_128 : memref<1x4096xf32, #tpu.memory_space<hbm>> -> memref<4096xf32, #tpu.memory_space<hbm>>
        %dma_wait3A_130 = arith.constant 0 : i32
        %dma_wait3A_131 = tpu.memref_slice %arg2[%add3A_116, %dma_wait3A_130] : memref<8192x4096xf32, #tpu.memory_space<hbm>> -> memref<1x4096xf32, #tpu.memory_space<hbm>>
        %dma_wait3A_132 = tpu.memref_squeeze %dma_wait3A_131 : memref<1x4096xf32, #tpu.memory_space<hbm>> -> memref<4096xf32, #tpu.memory_space<hbm>>
        tpu.wait_dma2 semaphore(%run_scoped3A : memref<!tpu.dma_semaphore, #tpu.memory_space<semaphore_mem>>) src(%dma_wait3A_132 : memref<4096xf32, #tpu.memory_space<hbm>>) dst(%arg6 : memref<4096xf32, #tpu.memory_space<vmem>>)
        tpu.yield
      }) : () -> ()
      %scan3A_117 = arith.constant 0 : i32
      %scan3A_118 = arith.constant 0 : i32
      %scan3A_119 = arith.constant 256 : i32
      %scan3A_120 = arith.addi %scan3A_118, %scan3A_119 : i32
      %scan3A_121 = arith.constant 1 : i32
      scf.for %scan3A_123 = %scan3A_118 to %scan3A_120 step %scan3A_121  : i32 {
        %mul3A_124 = arith.constant 16 : i32
        %mul3A_125 = arith.muli %scan3A_123, %mul3A_124 : i32
        %get3A = arith.index_cast %mul3A_125 : i32 to index
        %get3A_126 = tpu.vector_load %arg5[%get3A] {strides = array<i32>} : memref<4096xf32, #tpu.memory_space<vmem>>, vector<16xf32>,
        %get3A_127 = vector.shape_cast %get3A_126 : vector<16xf32> to vector<16xf32>
        %eq3A = arith.constant 0.000000e+00 : f32
        %eq3A_128 = vector.broadcast %eq3A : f32 to vector<16xf32>
        %eq3A_129 = arith.cmpf oeq, %get3A_127, %eq3A_128 : vector<16xf32>
        %jit3A_130 = arith.constant 0.000000e+00 : f32
        %broadcast_in_dim3A_131 = vector.broadcast %jit3A_130 : f32 to vector<16xf32>
        %select_n3A_132 = arith.select %eq3A_129, %broadcast_in_dim3A_131, %get3A_127 : vector<16xi1>, vector<16xf32>
        %bitcast_convert_type3A = tpu.bitcast %select_n3A_132 : vector<16xf32> -> vector<16xi32>
        %shift_right_arithmetic3A = arith.constant 31 : i32
        %shift_right_arithmetic3A_133 = vector.broadcast %shift_right_arithmetic3A : i32 to vector<16xi32>
        %shift_right_arithmetic3A_134 = arith.shrsi %bitcast_convert_type3A, %shift_right_arithmetic3A_133 : vector<16xi32>
        %shift_right_logical3A = arith.constant 1 : i32
        %shift_right_logical3A_135 = vector.broadcast %shift_right_logical3A : i32 to vector<16xi32>
        %shift_right_logical3A_136 = arith.shrui %shift_right_arithmetic3A_134, %shift_right_logical3A_135 : vector<16xi32>
        %xor3A = arith.xori %bitcast_convert_type3A, %shift_right_logical3A_136 : vector<16xi32>
        %broadcast_in_dim3A_137 = arith.constant 0 : i32
        %broadcast_in_dim3A_138 = vector.broadcast %broadcast_in_dim3A_137 : i32 to vector<16xi32>
        %lt3A = arith.constant 0 : i32
        %lt3A_139 = vector.broadcast %lt3A : i32 to vector<16xi32>
        %lt3A_140 = arith.cmpi slt, %add3A_11, %lt3A_139 : vector<16xi32>
        %add3A_141 = arith.constant 16 : i32
        %add3A_142 = vector.broadcast %add3A_141 : i32 to vector<16xi32>
        %add3A_143 = arith.addi %add3A_11, %add3A_142 : vector<16xi32>
        %select_n3A_144 = arith.select %lt3A_140, %add3A_143, %add3A_11 : vector<16xi1>, vector<16xi32>
        %broadcast_in_dim3A_145 = vector.shape_cast %select_n3A_144 : vector<16xi32> to vector<16x1xi32>
        %gather3A = vector.shape_cast %broadcast_in_dim3A_145 : vector<16x1xi32> to vector<16xi32>
        %gather3A_146 = tpu.dynamic_gather %xor3A[%gather3A] in [0] : vector<16xi32>, vector<16xi32> -> vector<16xi32>
        %add3A_147 = arith.addi %xor3A, %select_n3A : vector<16xi32>
        %lt3A_148 = arith.cmpi slt, %gather3A_146, %add3A_147 : vector<16xi32>
        %jit3A_149 = arith.constant 1 : i32
        %jit3A_150 = arith.constant 0 : i32
        %broadcast_in_dim3A_151 = vector.broadcast %jit3A_149 : i32 to vector<16xi32>
        %broadcast_in_dim3A_152 = vector.broadcast %jit3A_150 : i32 to vector<16xi32>
        %select_n3A_153 = arith.select %lt3A_148, %broadcast_in_dim3A_151, %broadcast_in_dim3A_152 : vector<16xi1>, vector<16xi32>
        %add3A_154 = arith.addi %broadcast_in_dim3A_138, %select_n3A_153 : vector<16xi32>
        %lt3A_155 = arith.constant 0 : i32
        %lt3A_156 = vector.broadcast %lt3A_155 : i32 to vector<16xi32>
        %lt3A_157 = arith.cmpi slt, %add3A_18, %lt3A_156 : vector<16xi32>
        %add3A_158 = arith.constant 16 : i32
        %add3A_159 = vector.broadcast %add3A_158 : i32 to vector<16xi32>
        %add3A_160 = arith.addi %add3A_18, %add3A_159 : vector<16xi32>
        %select_n3A_161 = arith.select %lt3A_157, %add3A_160, %add3A_18 : vector<16xi1>, vector<16xi32>
        %broadcast_in_dim3A_162 = vector.shape_cast %select_n3A_161 : vector<16xi32> to vector<16x1xi32>
        %gather3A_163 = vector.shape_cast %broadcast_in_dim3A_162 : vector<16x1xi32> to vector<16xi32>
        %gather3A_164 = tpu.dynamic_gather %xor3A[%gather3A_163] in [0] : vector<16xi32>, vector<16xi32> -> vector<16xi32>
        %add3A_165 = arith.addi %xor3A, %select_n3A_65 : vector<16xi32>
        %lt3A_166 = arith.cmpi slt, %gather3A_164, %add3A_165 : vector<16xi32>
        %jit3A_167 = arith.constant 1 : i32
        %jit3A_168 = arith.constant 0 : i32
        %broadcast_in_dim3A_169 = vector.broadcast %jit3A_167 : i32 to vector<16xi32>
        %broadcast_in_dim3A_170 = vector.broadcast %jit3A_168 : i32 to vector<16xi32>
        %select_n3A_171 = arith.select %lt3A_166, %broadcast_in_dim3A_169, %broadcast_in_dim3A_170 : vector<16xi1>, vector<16xi32>
        %add3A_172 = arith.addi %add3A_154, %select_n3A_171 : vector<16xi32>
        %lt3A_173 = arith.constant 0 : i32
        %lt3A_174 = vector.broadcast %lt3A_173 : i32 to vector<16xi32>
        %lt3A_175 = arith.cmpi slt, %add3A_25, %lt3A_174 : vector<16xi32>
        %add3A_176 = arith.constant 16 : i32
        %add3A_177 = vector.broadcast %add3A_176 : i32 to vector<16xi32>
        %add3A_178 = arith.addi %add3A_25, %add3A_177 : vector<16xi32>
        %select_n3A_179 = arith.select %lt3A_175, %add3A_178, %add3A_25 : vector<16xi1>, vector<16xi32>
        %broadcast_in_dim3A_180 = vector.shape_cast %select_n3A_179 : vector<16xi32> to vector<16x1xi32>
        %gather3A_181 = vector.shape_cast %broadcast_in_dim3A_180 : vector<16x1xi32> to vector<16xi32>
        %gather3A_182 = tpu.dynamic_gather %xor3A[%gather3A_181] in [0] : vector<16xi32>, vector<16xi32> -> vector<16xi32>
        %add3A_183 = arith.addi %xor3A, %select_n3A_73 : vector<16xi32>
        %lt3A_184 = arith.cmpi slt, %gather3A_182, %add3A_183 : vector<16xi32>
        %jit3A_185 = arith.constant 1 : i32
        %jit3A_186 = arith.constant 0 : i32
        %broadcast_in_dim3A_187 = vector.broadcast %jit3A_185 : i32 to vector<16xi32>
        %broadcast_in_dim3A_188 = vector.broadcast %jit3A_186 : i32 to vector<16xi32>
        %select_n3A_189 = arith.select %lt3A_184, %broadcast_in_dim3A_187, %broadcast_in_dim3A_188 : vector<16xi1>, vector<16xi32>
        %add3A_190 = arith.addi %add3A_172, %select_n3A_189 : vector<16xi32>
        %lt3A_191 = arith.constant 0 : i32
        %lt3A_192 = vector.broadcast %lt3A_191 : i32 to vector<16xi32>
        %lt3A_193 = arith.cmpi slt, %add3A_32, %lt3A_192 : vector<16xi32>
        %add3A_194 = arith.constant 16 : i32
        %add3A_195 = vector.broadcast %add3A_194 : i32 to vector<16xi32>
        %add3A_196 = arith.addi %add3A_32, %add3A_195 : vector<16xi32>
        %select_n3A_197 = arith.select %lt3A_193, %add3A_196, %add3A_32 : vector<16xi1>, vector<16xi32>
        %broadcast_in_dim3A_198 = vector.shape_cast %select_n3A_197 : vector<16xi32> to vector<16x1xi32>
        %gather3A_199 = vector.shape_cast %broadcast_in_dim3A_198 : vector<16x1xi32> to vector<16xi32>
        %gather3A_200 = tpu.dynamic_gather %xor3A[%gather3A_199] in [0] : vector<16xi32>, vector<16xi32> -> vector<16xi32>
        %add3A_201 = arith.addi %xor3A, %select_n3A_81 : vector<16xi32>
        %lt3A_202 = arith.cmpi slt, %gather3A_200, %add3A_201 : vector<16xi32>
        %jit3A_203 = arith.constant 1 : i32
        %jit3A_204 = arith.constant 0 : i32
        %broadcast_in_dim3A_205 = vector.broadcast %jit3A_203 : i32 to vector<16xi32>
        %broadcast_in_dim3A_206 = vector.broadcast %jit3A_204 : i32 to vector<16xi32>
        %select_n3A_207 = arith.select %lt3A_202, %broadcast_in_dim3A_205, %broadcast_in_dim3A_206 : vector<16xi1>, vector<16xi32>
        %add3A_208 = arith.addi %add3A_190, %select_n3A_207 : vector<16xi32>
        %lt3A_209 = arith.constant 0 : i32
        %lt3A_210 = vector.broadcast %lt3A_209 : i32 to vector<16xi32>
        %lt3A_211 = arith.cmpi slt, %add3A_39, %lt3A_210 : vector<16xi32>
        %add3A_212 = arith.constant 16 : i32
        %add3A_213 = vector.broadcast %add3A_212 : i32 to vector<16xi32>
        %add3A_214 = arith.addi %add3A_39, %add3A_213 : vector<16xi32>
        %select_n3A_215 = arith.select %lt3A_211, %add3A_214, %add3A_39 : vector<16xi1>, vector<16xi32>
        %broadcast_in_dim3A_216 = vector.shape_cast %select_n3A_215 : vector<16xi32> to vector<16x1xi32>
        %gather3A_217 = vector.shape_cast %broadcast_in_dim3A_216 : vector<16x1xi32> to vector<16xi32>
        %gather3A_218 = tpu.dynamic_gather %xor3A[%gather3A_217] in [0] : vector<16xi32>, vector<16xi32> -> vector<16xi32>
        %add3A_219 = arith.addi %xor3A, %select_n3A_89 : vector<16xi32>
        %lt3A_220 = arith.cmpi slt, %gather3A_218, %add3A_219 : vector<16xi32>
        %jit3A_221 = arith.constant 1 : i32
        %jit3A_222 = arith.constant 0 : i32
        %broadcast_in_dim3A_223 = vector.broadcast %jit3A_221 : i32 to vector<16xi32>
        %broadcast_in_dim3A_224 = vector.broadcast %jit3A_222 : i32 to vector<16xi32>
        %select_n3A_225 = arith.select %lt3A_220, %broadcast_in_dim3A_223, %broadcast_in_dim3A_224 : vector<16xi1>, vector<16xi32>
        %add3A_226 = arith.addi %add3A_208, %select_n3A_225 : vector<16xi32>
        %lt3A_227 = arith.constant 0 : i32
        %lt3A_228 = vector.broadcast %lt3A_227 : i32 to vector<16xi32>
        %lt3A_229 = arith.cmpi slt, %add3A_46, %lt3A_228 : vector<16xi32>
        %add3A_230 = arith.constant 16 : i32
        %add3A_231 = vector.broadcast %add3A_230 : i32 to vector<16xi32>
        %add3A_232 = arith.addi %add3A_46, %add3A_231 : vector<16xi32>
        %select_n3A_233 = arith.select %lt3A_229, %add3A_232, %add3A_46 : vector<16xi1>, vector<16xi32>
        %broadcast_in_dim3A_234 = vector.shape_cast %select_n3A_233 : vector<16xi32> to vector<16x1xi32>
        %gather3A_235 = vector.shape_cast %broadcast_in_dim3A_234 : vector<16x1xi32> to vector<16xi32>
        %gather3A_236 = tpu.dynamic_gather %xor3A[%gather3A_235] in [0] : vector<16xi32>, vector<16xi32> -> vector<16xi32>
        %add3A_237 = arith.addi %xor3A, %select_n3A_97 : vector<16xi32>
        %lt3A_238 = arith.cmpi slt, %gather3A_236, %add3A_237 : vector<16xi32>
        %jit3A_239 = arith.constant 1 : i32
        %jit3A_240 = arith.constant 0 : i32
        %broadcast_in_dim3A_241 = vector.broadcast %jit3A_239 : i32 to vector<16xi32>
        %broadcast_in_dim3A_242 = vector.broadcast %jit3A_240 : i32 to vector<16xi32>
        %select_n3A_243 = arith.select %lt3A_238, %broadcast_in_dim3A_241, %broadcast_in_dim3A_242 : vector<16xi1>, vector<16xi32>
        %add3A_244 = arith.addi %add3A_226, %select_n3A_243 : vector<16xi32>
        %lt3A_245 = arith.constant 0 : i32
        %lt3A_246 = vector.broadcast %lt3A_245 : i32 to vector<16xi32>
        %lt3A_247 = arith.cmpi slt, %add3A_53, %lt3A_246 : vector<16xi32>
        %add3A_248 = arith.constant 16 : i32
        %add3A_249 = vector.broadcast %add3A_248 : i32 to vector<16xi32>
        %add3A_250 = arith.addi %add3A_53, %add3A_249 : vector<16xi32>
        %select_n3A_251 = arith.select %lt3A_247, %add3A_250, %add3A_53 : vector<16xi1>, vector<16xi32>
        %broadcast_in_dim3A_252 = vector.shape_cast %select_n3A_251 : vector<16xi32> to vector<16x1xi32>
        %gather3A_253 = vector.shape_cast %broadcast_in_dim3A_252 : vector<16x1xi32> to vector<16xi32>
        %gather3A_254 = tpu.dynamic_gather %xor3A[%gather3A_253] in [0] : vector<16xi32>, vector<16xi32> -> vector<16xi32>
        %add3A_255 = arith.addi %xor3A, %select_n3A_105 : vector<16xi32>
        %lt3A_256 = arith.cmpi slt, %gather3A_254, %add3A_255 : vector<16xi32>
        %jit3A_257 = arith.constant 1 : i32
        %jit3A_258 = arith.constant 0 : i32
        %broadcast_in_dim3A_259 = vector.broadcast %jit3A_257 : i32 to vector<16xi32>
        %broadcast_in_dim3A_260 = vector.broadcast %jit3A_258 : i32 to vector<16xi32>
        %select_n3A_261 = arith.select %lt3A_256, %broadcast_in_dim3A_259, %broadcast_in_dim3A_260 : vector<16xi1>, vector<16xi32>
        %add3A_262 = arith.addi %add3A_244, %select_n3A_261 : vector<16xi32>
        %get3A_263 = arith.index_cast %mul3A_125 : i32 to index
        %get3A_264 = tpu.vector_load %arg6[%get3A_263] {strides = array<i32>} : memref<4096xf32, #tpu.memory_space<vmem>>, vector<16xf32>,
        %get3A_265 = vector.shape_cast %get3A_264 : vector<16xf32> to vector<16xf32>
        %ge3A_266 = arith.constant 4 : i32
        %ge3A_267 = vector.broadcast %ge3A_266 : i32 to vector<16xi32>
        %ge3A_268 = arith.cmpi sge, %add3A_262, %ge3A_267 : vector<16xi32>
        %jit3A_269 = arith.constant 0.000000e+00 : f32
        %broadcast_in_dim3A_270 = vector.broadcast %jit3A_269 : f32 to vector<16xf32>
        %select_n3A_271 = arith.select %ge3A_268, %get3A_265, %broadcast_in_dim3A_270 : vector<16xi1>, vector<16xf32>
        %swap3A = arith.index_cast %mul3A_125 : i32 to index
        %swap3A_272 = tpu.vector_load %arg7[%swap3A] {strides = array<i32>} : memref<4096xf32, #tpu.memory_space<vmem>>, vector<16xf32>,
        %swap3A_273 = vector.shape_cast %swap3A_272 : vector<16xf32> to vector<16xf32>
        %swap3A_274 = vector.shape_cast %select_n3A_271 : vector<16xf32> to vector<16xf32>
        tpu.vector_store %arg7[%swap3A], %swap3A_274 {strides = array<i32>} : memref<4096xf32, #tpu.memory_space<vmem>>, vector<16xf32>,
      }
      %scan3A_122 = arith.constant 256 : i32
      "tpu.region"() ({
        %run_scoped3A = tpu.sem_alloc : memref<!tpu.dma_semaphore, #tpu.memory_space<semaphore_mem>>
        %dma_start3A = arith.constant 0 : i32
        %dma_start3A_123 = tpu.memref_slice %arg4[%add3A_114, %dma_start3A] : memref<1536x4096xf32, #tpu.memory_space<hbm>> -> memref<1x4096xf32, #tpu.memory_space<hbm>>
        %dma_start3A_124 = tpu.memref_squeeze %dma_start3A_123 : memref<1x4096xf32, #tpu.memory_space<hbm>> -> memref<4096xf32, #tpu.memory_space<hbm>>
        %dma_start3A_125 = arith.constant 0 : i32
        %dma_start3A_126 = tpu.memref_slice %arg4[%add3A_114, %dma_start3A_125] : memref<1536x4096xf32, #tpu.memory_space<hbm>> -> memref<1x4096xf32, #tpu.memory_space<hbm>>
        %dma_start3A_127 = tpu.memref_squeeze %dma_start3A_126 : memref<1x4096xf32, #tpu.memory_space<hbm>> -> memref<4096xf32, #tpu.memory_space<hbm>>
        tpu.enqueue_dma source(%arg7 : memref<4096xf32, #tpu.memory_space<vmem>>) target(%dma_start3A_127 : memref<4096xf32, #tpu.memory_space<hbm>>) target_semaphore(%run_scoped3A : memref<!tpu.dma_semaphore, #tpu.memory_space<semaphore_mem>>)
        %dma_wait3A = arith.constant 0 : i32
        %dma_wait3A_128 = tpu.memref_slice %arg4[%add3A_114, %dma_wait3A] : memref<1536x4096xf32, #tpu.memory_space<hbm>> -> memref<1x4096xf32, #tpu.memory_space<hbm>>
        %dma_wait3A_129 = tpu.memref_squeeze %dma_wait3A_128 : memref<1x4096xf32, #tpu.memory_space<hbm>> -> memref<4096xf32, #tpu.memory_space<hbm>>
        %dma_wait3A_130 = arith.constant 0 : i32
        %dma_wait3A_131 = tpu.memref_slice %arg4[%add3A_114, %dma_wait3A_130] : memref<1536x4096xf32, #tpu.memory_space<hbm>> -> memref<1x4096xf32, #tpu.memory_space<hbm>>
        %dma_wait3A_132 = tpu.memref_squeeze %dma_wait3A_131 : memref<1x4096xf32, #tpu.memory_space<hbm>> -> memref<4096xf32, #tpu.memory_space<hbm>>
        tpu.wait_dma2 semaphore(%run_scoped3A : memref<!tpu.dma_semaphore, #tpu.memory_space<semaphore_mem>>) src(%arg7 : memref<4096xf32, #tpu.memory_space<vmem>>) dst(%dma_wait3A_132 : memref<4096xf32, #tpu.memory_space<hbm>>)
        tpu.yield
      }) : () -> ()
    }
    %scan3A_110 = arith.constant 48 : i32
    return
  }
}

module attributes {stable_mosaic.version = 14 : i64} {
  func.func @_tc_kernel_body(%arg0: i32, %arg1: i32, %arg2: memref<3328x128xf32, #tpu.memory_space<vmem>>, %arg3: memref<3328x128xf32, #tpu.memory_space<vmem>>, %arg4: memref<3328x128xf32, #tpu.memory_space<vmem>>) attributes {dimension_semantics = [#tpu.dimension_semantics<parallel>, #tpu.dimension_semantics<parallel>], iteration_bounds = array<i64: 2, 32>, scalar_prefetch = 0 : i64, scratch_operands = 0 : i64, tpu.core_type = #tpu.core_type<tc>, window_params = [{transform_indices = @transform_0, window_bounds = array<i64: 3328, 128>}, {transform_indices = @transform_1, window_bounds = array<i64: 3328, 128>}, {transform_indices = @transform_2, window_bounds = array<i64: 3328, 128>}]} {
    %get3A = arith.constant 0 : index
    %get3A_0 = arith.constant 0 : index
    %get3A_1 = vector.load %arg3[%get3A, %get3A_0] : memref<3328x128xf32, #tpu.memory_space<vmem>>, vector<3328x128xf32>
    %get3A_2 = arith.constant 0 : index
    %get3A_3 = arith.constant 0 : index
    %get3A_4 = vector.load %arg2[%get3A_2, %get3A_3] : memref<3328x128xf32, #tpu.memory_space<vmem>>, vector<3328x128xf32>
    %eq3A = arith.constant 0.000000e+00 : f32
    %eq3A_5 = vector.broadcast %eq3A : f32 to vector<3328x128xf32>
    %eq3A_6 = arith.cmpf oeq, %get3A_1, %eq3A_5 : vector<3328x128xf32>
    %jit3A = arith.constant 0.000000e+00 : f32
    %broadcast_in_dim3A = vector.broadcast %jit3A : f32 to vector<3328x128xf32>
    %select_n3A = arith.select %eq3A_6, %broadcast_in_dim3A, %get3A_1 : vector<3328x128xi1>, vector<3328x128xf32>
    %bitcast_convert_type3A = tpu.bitcast %select_n3A : vector<3328x128xf32> -> vector<3328x128xi32>
    %shift_right_arithmetic3A = arith.constant 31 : i32
    %shift_right_arithmetic3A_7 = vector.broadcast %shift_right_arithmetic3A : i32 to vector<3328x128xi32>
    %shift_right_arithmetic3A_8 = arith.shrsi %bitcast_convert_type3A, %shift_right_arithmetic3A_7 : vector<3328x128xi32>
    %shift_right_logical3A = arith.constant 1 : i32
    %shift_right_logical3A_9 = vector.broadcast %shift_right_logical3A : i32 to vector<3328x128xi32>
    %shift_right_logical3A_10 = arith.shrui %shift_right_arithmetic3A_8, %shift_right_logical3A_9 : vector<3328x128xi32>
    %xor3A = arith.xori %bitcast_convert_type3A, %shift_right_logical3A_10 : vector<3328x128xi32>
    %add3A = arith.constant 1 : i32
    %add3A_11 = vector.broadcast %add3A : i32 to vector<3328x128xi32>
    %add3A_12 = arith.addi %xor3A, %add3A_11 : vector<3328x128xi32>
    %iota3A = tpu.iota {dimensions = array<i32: 1>} : vector<3328x128xi32>
    %jit3A_13 = arith.constant 8 : i32
    %eq3A_14 = arith.constant 0 : i32
    %eq3A_15 = arith.cmpi eq, %jit3A_13, %eq3A_14 : i32
    %jit3A_16 = arith.constant 1 : i32
    %select_n3A_17 = arith.select %eq3A_15, %jit3A_16, %jit3A_13 : i32
    %rem3A = vector.broadcast %select_n3A_17 : i32 to vector<3328x128xi32>
    %rem3A_18 = arith.remsi %iota3A, %rem3A : vector<3328x128xi32>
    %ne3A = arith.constant 0 : i32
    %ne3A_19 = vector.broadcast %ne3A : i32 to vector<3328x128xi32>
    %ne3A_20 = arith.cmpi ne, %rem3A_18, %ne3A_19 : vector<3328x128xi32>
    %lt3A = arith.constant 0 : i32
    %lt3A_21 = vector.broadcast %lt3A : i32 to vector<3328x128xi32>
    %lt3A_22 = arith.cmpi slt, %rem3A_18, %lt3A_21 : vector<3328x128xi32>
    %lt3A_23 = arith.constant 0 : i32
    %lt3A_24 = arith.cmpi slt, %select_n3A_17, %lt3A_23 : i32
    %ne3A_25 = vector.broadcast %lt3A_24 : i1 to vector<3328x128xi1>
    %ne3A_26 = vector.broadcast %ne3A_25 : vector<3328x128xi1> to vector<3328x128xi1>
    %ne3A_27 = arith.xori %lt3A_22, %ne3A_26 : vector<3328x128xi1>
    %and3A = arith.andi %ne3A_27, %ne3A_20 : vector<3328x128xi1>
    %add3A_28 = vector.broadcast %select_n3A_17 : i32 to vector<3328x128xi32>
    %add3A_29 = arith.addi %rem3A_18, %add3A_28 : vector<3328x128xi32>
    %select_n3A_30 = arith.select %and3A, %add3A_29, %rem3A_18 : vector<3328x128xi1>, vector<3328x128xi32>
    %broadcast_in_dim3A_31 = arith.constant 0.000000e+00 : f32
    %broadcast_in_dim3A_32 = vector.broadcast %broadcast_in_dim3A_31 : f32 to vector<3328x128xf32>
    %iota3A_33 = tpu.iota {dimensions = array<i32: 1>} : vector<1x128xi32>
    %iota3A_34 = vector.shape_cast %iota3A_33 : vector<1x128xi32> to vector<128xi32>
    %jit3A_35 = arith.constant 8 : i32
    %div3A = vector.broadcast %jit3A_35 : i32 to vector<128xi32>
    %div3A_36 = arith.divsi %iota3A_34, %div3A : vector<128xi32>
    %sign3A = arith.constant 0 : i32
    %sign3A_37 = vector.broadcast %sign3A : i32 to vector<128xi32>
    %sign3A_38 = arith.cmpi sgt, %iota3A_34, %sign3A_37 : vector<128xi32>
    %sign3A_39 = arith.extui %sign3A_38 : vector<128xi1> to vector<128xi32>
    %sign3A_40 = arith.constant 0 : i32
    %sign3A_41 = vector.broadcast %sign3A_40 : i32 to vector<128xi32>
    %sign3A_42 = arith.cmpi slt, %iota3A_34, %sign3A_41 : vector<128xi32>
    %sign3A_43 = arith.extui %sign3A_42 : vector<128xi1> to vector<128xi32>
    %sign3A_44 = arith.subi %sign3A_39, %sign3A_43 : vector<128xi32>
    %sign3A_45 = arith.constant 0 : i32
    %sign3A_46 = arith.cmpi sgt, %jit3A_35, %sign3A_45 : i32
    %sign3A_47 = arith.extui %sign3A_46 : i1 to i32
    %sign3A_48 = arith.constant 0 : i32
    %sign3A_49 = arith.cmpi slt, %jit3A_35, %sign3A_48 : i32
    %sign3A_50 = arith.extui %sign3A_49 : i1 to i32
    %sign3A_51 = arith.subi %sign3A_47, %sign3A_50 : i32
    %ne3A_52 = vector.broadcast %sign3A_51 : i32 to vector<128xi32>
    %ne3A_53 = arith.cmpi ne, %sign3A_44, %ne3A_52 : vector<128xi32>
    %rem3A_54 = vector.broadcast %jit3A_35 : i32 to vector<128xi32>
    %rem3A_55 = arith.remsi %iota3A_34, %rem3A_54 : vector<128xi32>
    %ne3A_56 = arith.constant 0 : i32
    %ne3A_57 = vector.broadcast %ne3A_56 : i32 to vector<128xi32>
    %ne3A_58 = arith.cmpi ne, %rem3A_55, %ne3A_57 : vector<128xi32>
    %and3A_59 = arith.andi %ne3A_53, %ne3A_58 : vector<128xi1>
    %sub3A = arith.constant 1 : i32
    %sub3A_60 = vector.broadcast %sub3A : i32 to vector<128xi32>
    %sub3A_61 = arith.subi %div3A_36, %sub3A_60 : vector<128xi32>
    %select_n3A_62 = arith.select %and3A_59, %sub3A_61, %div3A_36 : vector<128xi1>, vector<128xi32>
    %mul3A = arith.constant 8 : i32
    %mul3A_63 = vector.broadcast %mul3A : i32 to vector<128xi32>
    %mul3A_64 = arith.muli %select_n3A_62, %mul3A_63 : vector<128xi32>
    %iota3A_65 = tpu.iota {dimensions = array<i32: 1>} : vector<1x128xi32>
    %iota3A_66 = vector.shape_cast %iota3A_65 : vector<1x128xi32> to vector<128xi32>
    %sub3A_67 = arith.constant 1 : i32
    %sub3A_68 = vector.broadcast %sub3A_67 : i32 to vector<128xi32>
    %sub3A_69 = arith.subi %iota3A_66, %sub3A_68 : vector<128xi32>
    %jit3A_70 = arith.constant 8 : i32
    %eq3A_71 = arith.constant 0 : i32
    %eq3A_72 = arith.cmpi eq, %jit3A_70, %eq3A_71 : i32
    %jit3A_73 = arith.constant 1 : i32
    %select_n3A_74 = arith.select %eq3A_72, %jit3A_73, %jit3A_70 : i32
    %rem3A_75 = vector.broadcast %select_n3A_74 : i32 to vector<128xi32>
    %rem3A_76 = arith.remsi %sub3A_69, %rem3A_75 : vector<128xi32>
    %ne3A_77 = arith.constant 0 : i32
    %ne3A_78 = vector.broadcast %ne3A_77 : i32 to vector<128xi32>
    %ne3A_79 = arith.cmpi ne, %rem3A_76, %ne3A_78 : vector<128xi32>
    %lt3A_80 = arith.constant 0 : i32
    %lt3A_81 = vector.broadcast %lt3A_80 : i32 to vector<128xi32>
    %lt3A_82 = arith.cmpi slt, %rem3A_76, %lt3A_81 : vector<128xi32>
    %lt3A_83 = arith.constant 0 : i32
    %lt3A_84 = arith.cmpi slt, %select_n3A_74, %lt3A_83 : i32
    %ne3A_85 = vector.broadcast %lt3A_84 : i1 to vector<128xi1>
    %ne3A_86 = vector.broadcast %ne3A_85 : vector<128xi1> to vector<128xi1>
    %ne3A_87 = arith.xori %lt3A_82, %ne3A_86 : vector<128xi1>
    %and3A_88 = arith.andi %ne3A_87, %ne3A_79 : vector<128xi1>
    %add3A_89 = vector.broadcast %select_n3A_74 : i32 to vector<128xi32>
    %add3A_90 = arith.addi %rem3A_76, %add3A_89 : vector<128xi32>
    %select_n3A_91 = arith.select %and3A_88, %add3A_90, %rem3A_76 : vector<128xi1>, vector<128xi32>
    %add3A_92 = arith.addi %mul3A_64, %select_n3A_91 : vector<128xi32>
    %broadcast_in_dim3A_93 = vector.shape_cast %add3A_92 : vector<128xi32> to vector<1x128xi32>
    %broadcast_in_dim3A_94 = vector.shape_cast %broadcast_in_dim3A_93 : vector<1x128xi32> to vector<1x128xi32>
    %broadcast_in_dim3A_95 = vector.broadcast %broadcast_in_dim3A_94 : vector<1x128xi32> to vector<3328x128xi32>
    %lt3A_96 = arith.constant 0 : i32
    %lt3A_97 = vector.broadcast %lt3A_96 : i32 to vector<3328x128xi32>
    %lt3A_98 = arith.cmpi slt, %broadcast_in_dim3A_95, %lt3A_97 : vector<3328x128xi32>
    %add3A_99 = arith.constant 128 : i32
    %add3A_100 = vector.broadcast %add3A_99 : i32 to vector<3328x128xi32>
    %add3A_101 = arith.addi %broadcast_in_dim3A_95, %add3A_100 : vector<3328x128xi32>
    %select_n3A_102 = arith.select %lt3A_98, %add3A_101, %broadcast_in_dim3A_95 : vector<3328x128xi1>, vector<3328x128xi32>
    %reshape3A = vector.shape_cast %select_n3A_102 : vector<3328x128xi32> to vector<3328x128x1xi32>
    %gather3A = vector.shape_cast %reshape3A : vector<3328x128x1xi32> to vector<3328x128xi32>
    %gather3A_103 = tpu.dynamic_gather %xor3A[%gather3A] in [1] : vector<3328x128xi32>, vector<3328x128xi32> -> vector<3328x128xi32>
    %ge3A = arith.constant 1 : i32
    %ge3A_104 = vector.broadcast %ge3A : i32 to vector<3328x128xi32>
    %ge3A_105 = arith.cmpi sge, %select_n3A_30, %ge3A_104 : vector<3328x128xi32>
    %select_n3A_106 = arith.select %ge3A_105, %add3A_12, %xor3A : vector<3328x128xi1>, vector<3328x128xi32>
    %lt3A_107 = arith.cmpi slt, %gather3A_103, %select_n3A_106 : vector<3328x128xi32>
    %jit3A_108 = arith.constant 1.000000e+00 : f32
    %jit3A_109 = arith.constant 0.000000e+00 : f32
    %broadcast_in_dim3A_110 = vector.broadcast %jit3A_108 : f32 to vector<3328x128xf32>
    %broadcast_in_dim3A_111 = vector.broadcast %jit3A_109 : f32 to vector<3328x128xf32>
    %select_n3A_112 = arith.select %lt3A_107, %broadcast_in_dim3A_110, %broadcast_in_dim3A_111 : vector<3328x128xi1>, vector<3328x128xf32>
    %add3A_113 = arith.addf %broadcast_in_dim3A_32, %select_n3A_112 : vector<3328x128xf32>
    %iota3A_114 = tpu.iota {dimensions = array<i32: 1>} : vector<1x128xi32>
    %iota3A_115 = vector.shape_cast %iota3A_114 : vector<1x128xi32> to vector<128xi32>
    %jit3A_116 = arith.constant 8 : i32
    %div3A_117 = vector.broadcast %jit3A_116 : i32 to vector<128xi32>
    %div3A_118 = arith.divsi %iota3A_115, %div3A_117 : vector<128xi32>
    %sign3A_119 = arith.constant 0 : i32
    %sign3A_120 = vector.broadcast %sign3A_119 : i32 to vector<128xi32>
    %sign3A_121 = arith.cmpi sgt, %iota3A_115, %sign3A_120 : vector<128xi32>
    %sign3A_122 = arith.extui %sign3A_121 : vector<128xi1> to vector<128xi32>
    %sign3A_123 = arith.constant 0 : i32
    %sign3A_124 = vector.broadcast %sign3A_123 : i32 to vector<128xi32>
    %sign3A_125 = arith.cmpi slt, %iota3A_115, %sign3A_124 : vector<128xi32>
    %sign3A_126 = arith.extui %sign3A_125 : vector<128xi1> to vector<128xi32>
    %sign3A_127 = arith.subi %sign3A_122, %sign3A_126 : vector<128xi32>
    %sign3A_128 = arith.constant 0 : i32
    %sign3A_129 = arith.cmpi sgt, %jit3A_116, %sign3A_128 : i32
    %sign3A_130 = arith.extui %sign3A_129 : i1 to i32
    %sign3A_131 = arith.constant 0 : i32
    %sign3A_132 = arith.cmpi slt, %jit3A_116, %sign3A_131 : i32
    %sign3A_133 = arith.extui %sign3A_132 : i1 to i32
    %sign3A_134 = arith.subi %sign3A_130, %sign3A_133 : i32
    %ne3A_135 = vector.broadcast %sign3A_134 : i32 to vector<128xi32>
    %ne3A_136 = arith.cmpi ne, %sign3A_127, %ne3A_135 : vector<128xi32>
    %rem3A_137 = vector.broadcast %jit3A_116 : i32 to vector<128xi32>
    %rem3A_138 = arith.remsi %iota3A_115, %rem3A_137 : vector<128xi32>
    %ne3A_139 = arith.constant 0 : i32
    %ne3A_140 = vector.broadcast %ne3A_139 : i32 to vector<128xi32>
    %ne3A_141 = arith.cmpi ne, %rem3A_138, %ne3A_140 : vector<128xi32>
    %and3A_142 = arith.andi %ne3A_136, %ne3A_141 : vector<128xi1>
    %sub3A_143 = arith.constant 1 : i32
    %sub3A_144 = vector.broadcast %sub3A_143 : i32 to vector<128xi32>
    %sub3A_145 = arith.subi %div3A_118, %sub3A_144 : vector<128xi32>
    %select_n3A_146 = arith.select %and3A_142, %sub3A_145, %div3A_118 : vector<128xi1>, vector<128xi32>
    %mul3A_147 = arith.constant 8 : i32
    %mul3A_148 = vector.broadcast %mul3A_147 : i32 to vector<128xi32>
    %mul3A_149 = arith.muli %select_n3A_146, %mul3A_148 : vector<128xi32>
    %iota3A_150 = tpu.iota {dimensions = array<i32: 1>} : vector<1x128xi32>
    %iota3A_151 = vector.shape_cast %iota3A_150 : vector<1x128xi32> to vector<128xi32>
    %sub3A_152 = arith.constant -1 : i32
    %sub3A_153 = vector.broadcast %sub3A_152 : i32 to vector<128xi32>
    %sub3A_154 = arith.subi %iota3A_151, %sub3A_153 : vector<128xi32>
    %jit3A_155 = arith.constant 8 : i32
    %eq3A_156 = arith.constant 0 : i32
    %eq3A_157 = arith.cmpi eq, %jit3A_155, %eq3A_156 : i32
    %jit3A_158 = arith.constant 1 : i32
    %select_n3A_159 = arith.select %eq3A_157, %jit3A_158, %jit3A_155 : i32
    %rem3A_160 = vector.broadcast %select_n3A_159 : i32 to vector<128xi32>
    %rem3A_161 = arith.remsi %sub3A_154, %rem3A_160 : vector<128xi32>
    %ne3A_162 = arith.constant 0 : i32
    %ne3A_163 = vector.broadcast %ne3A_162 : i32 to vector<128xi32>
    %ne3A_164 = arith.cmpi ne, %rem3A_161, %ne3A_163 : vector<128xi32>
    %lt3A_165 = arith.constant 0 : i32
    %lt3A_166 = vector.broadcast %lt3A_165 : i32 to vector<128xi32>
    %lt3A_167 = arith.cmpi slt, %rem3A_161, %lt3A_166 : vector<128xi32>
    %lt3A_168 = arith.constant 0 : i32
    %lt3A_169 = arith.cmpi slt, %select_n3A_159, %lt3A_168 : i32
    %ne3A_170 = vector.broadcast %lt3A_169 : i1 to vector<128xi1>
    %ne3A_171 = vector.broadcast %ne3A_170 : vector<128xi1> to vector<128xi1>
    %ne3A_172 = arith.xori %lt3A_167, %ne3A_171 : vector<128xi1>
    %and3A_173 = arith.andi %ne3A_172, %ne3A_164 : vector<128xi1>
    %add3A_174 = vector.broadcast %select_n3A_159 : i32 to vector<128xi32>
    %add3A_175 = arith.addi %rem3A_161, %add3A_174 : vector<128xi32>
    %select_n3A_176 = arith.select %and3A_173, %add3A_175, %rem3A_161 : vector<128xi1>, vector<128xi32>
    %add3A_177 = arith.addi %mul3A_149, %select_n3A_176 : vector<128xi32>
    %broadcast_in_dim3A_178 = vector.shape_cast %add3A_177 : vector<128xi32> to vector<1x128xi32>
    %broadcast_in_dim3A_179 = vector.shape_cast %broadcast_in_dim3A_178 : vector<1x128xi32> to vector<1x128xi32>
    %broadcast_in_dim3A_180 = vector.broadcast %broadcast_in_dim3A_179 : vector<1x128xi32> to vector<3328x128xi32>
    %lt3A_181 = arith.constant 0 : i32
    %lt3A_182 = vector.broadcast %lt3A_181 : i32 to vector<3328x128xi32>
    %lt3A_183 = arith.cmpi slt, %broadcast_in_dim3A_180, %lt3A_182 : vector<3328x128xi32>
    %add3A_184 = arith.constant 128 : i32
    %add3A_185 = vector.broadcast %add3A_184 : i32 to vector<3328x128xi32>
    %add3A_186 = arith.addi %broadcast_in_dim3A_180, %add3A_185 : vector<3328x128xi32>
    %select_n3A_187 = arith.select %lt3A_183, %add3A_186, %broadcast_in_dim3A_180 : vector<3328x128xi1>, vector<3328x128xi32>
    %reshape3A_188 = vector.shape_cast %select_n3A_187 : vector<3328x128xi32> to vector<3328x128x1xi32>
    %gather3A_189 = vector.shape_cast %reshape3A_188 : vector<3328x128x1xi32> to vector<3328x128xi32>
    %gather3A_190 = tpu.dynamic_gather %select_n3A_112[%gather3A_189] in [1] : vector<3328x128xf32>, vector<3328x128xi32> -> vector<3328x128xf32>
    %sub3A_191 = arith.subf %add3A_113, %gather3A_190 : vector<3328x128xf32>
    %iota3A_192 = tpu.iota {dimensions = array<i32: 1>} : vector<1x128xi32>
    %iota3A_193 = vector.shape_cast %iota3A_192 : vector<1x128xi32> to vector<128xi32>
    %jit3A_194 = arith.constant 8 : i32
    %div3A_195 = vector.broadcast %jit3A_194 : i32 to vector<128xi32>
    %div3A_196 = arith.divsi %iota3A_193, %div3A_195 : vector<128xi32>
    %sign3A_197 = arith.constant 0 : i32
    %sign3A_198 = vector.broadcast %sign3A_197 : i32 to vector<128xi32>
    %sign3A_199 = arith.cmpi sgt, %iota3A_193, %sign3A_198 : vector<128xi32>
    %sign3A_200 = arith.extui %sign3A_199 : vector<128xi1> to vector<128xi32>
    %sign3A_201 = arith.constant 0 : i32
    %sign3A_202 = vector.broadcast %sign3A_201 : i32 to vector<128xi32>
    %sign3A_203 = arith.cmpi slt, %iota3A_193, %sign3A_202 : vector<128xi32>
    %sign3A_204 = arith.extui %sign3A_203 : vector<128xi1> to vector<128xi32>
    %sign3A_205 = arith.subi %sign3A_200, %sign3A_204 : vector<128xi32>
    %sign3A_206 = arith.constant 0 : i32
    %sign3A_207 = arith.cmpi sgt, %jit3A_194, %sign3A_206 : i32
    %sign3A_208 = arith.extui %sign3A_207 : i1 to i32
    %sign3A_209 = arith.constant 0 : i32
    %sign3A_210 = arith.cmpi slt, %jit3A_194, %sign3A_209 : i32
    %sign3A_211 = arith.extui %sign3A_210 : i1 to i32
    %sign3A_212 = arith.subi %sign3A_208, %sign3A_211 : i32
    %ne3A_213 = vector.broadcast %sign3A_212 : i32 to vector<128xi32>
    %ne3A_214 = arith.cmpi ne, %sign3A_205, %ne3A_213 : vector<128xi32>
    %rem3A_215 = vector.broadcast %jit3A_194 : i32 to vector<128xi32>
    %rem3A_216 = arith.remsi %iota3A_193, %rem3A_215 : vector<128xi32>
    %ne3A_217 = arith.constant 0 : i32
    %ne3A_218 = vector.broadcast %ne3A_217 : i32 to vector<128xi32>
    %ne3A_219 = arith.cmpi ne, %rem3A_216, %ne3A_218 : vector<128xi32>
    %and3A_220 = arith.andi %ne3A_214, %ne3A_219 : vector<128xi1>
    %sub3A_221 = arith.constant 1 : i32
    %sub3A_222 = vector.broadcast %sub3A_221 : i32 to vector<128xi32>
    %sub3A_223 = arith.subi %div3A_196, %sub3A_222 : vector<128xi32>
    %select_n3A_224 = arith.select %and3A_220, %sub3A_223, %div3A_196 : vector<128xi1>, vector<128xi32>
    %mul3A_225 = arith.constant 8 : i32
    %mul3A_226 = vector.broadcast %mul3A_225 : i32 to vector<128xi32>
    %mul3A_227 = arith.muli %select_n3A_224, %mul3A_226 : vector<128xi32>
    %iota3A_228 = tpu.iota {dimensions = array<i32: 1>} : vector<1x128xi32>
    %iota3A_229 = vector.shape_cast %iota3A_228 : vector<1x128xi32> to vector<128xi32>
    %sub3A_230 = arith.constant 2 : i32
    %sub3A_231 = vector.broadcast %sub3A_230 : i32 to vector<128xi32>
    %sub3A_232 = arith.subi %iota3A_229, %sub3A_231 : vector<128xi32>
    %jit3A_233 = arith.constant 8 : i32
    %eq3A_234 = arith.constant 0 : i32
    %eq3A_235 = arith.cmpi eq, %jit3A_233, %eq3A_234 : i32
    %jit3A_236 = arith.constant 1 : i32
    %select_n3A_237 = arith.select %eq3A_235, %jit3A_236, %jit3A_233 : i32
    %rem3A_238 = vector.broadcast %select_n3A_237 : i32 to vector<128xi32>
    %rem3A_239 = arith.remsi %sub3A_232, %rem3A_238 : vector<128xi32>
    %ne3A_240 = arith.constant 0 : i32
    %ne3A_241 = vector.broadcast %ne3A_240 : i32 to vector<128xi32>
    %ne3A_242 = arith.cmpi ne, %rem3A_239, %ne3A_241 : vector<128xi32>
    %lt3A_243 = arith.constant 0 : i32
    %lt3A_244 = vector.broadcast %lt3A_243 : i32 to vector<128xi32>
    %lt3A_245 = arith.cmpi slt, %rem3A_239, %lt3A_244 : vector<128xi32>
    %lt3A_246 = arith.constant 0 : i32
    %lt3A_247 = arith.cmpi slt, %select_n3A_237, %lt3A_246 : i32
    %ne3A_248 = vector.broadcast %lt3A_247 : i1 to vector<128xi1>
    %ne3A_249 = vector.broadcast %ne3A_248 : vector<128xi1> to vector<128xi1>
    %ne3A_250 = arith.xori %lt3A_245, %ne3A_249 : vector<128xi1>
    %and3A_251 = arith.andi %ne3A_250, %ne3A_242 : vector<128xi1>
    %add3A_252 = vector.broadcast %select_n3A_237 : i32 to vector<128xi32>
    %add3A_253 = arith.addi %rem3A_239, %add3A_252 : vector<128xi32>
    %select_n3A_254 = arith.select %and3A_251, %add3A_253, %rem3A_239 : vector<128xi1>, vector<128xi32>
    %add3A_255 = arith.addi %mul3A_227, %select_n3A_254 : vector<128xi32>
    %broadcast_in_dim3A_256 = vector.shape_cast %add3A_255 : vector<128xi32> to vector<1x128xi32>
    %broadcast_in_dim3A_257 = vector.shape_cast %broadcast_in_dim3A_256 : vector<1x128xi32> to vector<1x128xi32>
    %broadcast_in_dim3A_258 = vector.broadcast %broadcast_in_dim3A_257 : vector<1x128xi32> to vector<3328x128xi32>
    %lt3A_259 = arith.constant 0 : i32
    %lt3A_260 = vector.broadcast %lt3A_259 : i32 to vector<3328x128xi32>
    %lt3A_261 = arith.cmpi slt, %broadcast_in_dim3A_258, %lt3A_260 : vector<3328x128xi32>
    %add3A_262 = arith.constant 128 : i32
    %add3A_263 = vector.broadcast %add3A_262 : i32 to vector<3328x128xi32>
    %add3A_264 = arith.addi %broadcast_in_dim3A_258, %add3A_263 : vector<3328x128xi32>
    %select_n3A_265 = arith.select %lt3A_261, %add3A_264, %broadcast_in_dim3A_258 : vector<3328x128xi1>, vector<3328x128xi32>
    %reshape3A_266 = vector.shape_cast %select_n3A_265 : vector<3328x128xi32> to vector<3328x128x1xi32>
    %gather3A_267 = vector.shape_cast %reshape3A_266 : vector<3328x128x1xi32> to vector<3328x128xi32>
    %gather3A_268 = tpu.dynamic_gather %xor3A[%gather3A_267] in [1] : vector<3328x128xi32>, vector<3328x128xi32> -> vector<3328x128xi32>
    %ge3A_269 = arith.constant 2 : i32
    %ge3A_270 = vector.broadcast %ge3A_269 : i32 to vector<3328x128xi32>
    %ge3A_271 = arith.cmpi sge, %select_n3A_30, %ge3A_270 : vector<3328x128xi32>
    %select_n3A_272 = arith.select %ge3A_271, %add3A_12, %xor3A : vector<3328x128xi1>, vector<3328x128xi32>
    %lt3A_273 = arith.cmpi slt, %gather3A_268, %select_n3A_272 : vector<3328x128xi32>
    %jit3A_274 = arith.constant 1.000000e+00 : f32
    %jit3A_275 = arith.constant 0.000000e+00 : f32
    %broadcast_in_dim3A_276 = vector.broadcast %jit3A_274 : f32 to vector<3328x128xf32>
    %broadcast_in_dim3A_277 = vector.broadcast %jit3A_275 : f32 to vector<3328x128xf32>
    %select_n3A_278 = arith.select %lt3A_273, %broadcast_in_dim3A_276, %broadcast_in_dim3A_277 : vector<3328x128xi1>, vector<3328x128xf32>
    %add3A_279 = arith.addf %sub3A_191, %select_n3A_278 : vector<3328x128xf32>
    %iota3A_280 = tpu.iota {dimensions = array<i32: 1>} : vector<1x128xi32>
    %iota3A_281 = vector.shape_cast %iota3A_280 : vector<1x128xi32> to vector<128xi32>
    %jit3A_282 = arith.constant 8 : i32
    %div3A_283 = vector.broadcast %jit3A_282 : i32 to vector<128xi32>
    %div3A_284 = arith.divsi %iota3A_281, %div3A_283 : vector<128xi32>
    %sign3A_285 = arith.constant 0 : i32
    %sign3A_286 = vector.broadcast %sign3A_285 : i32 to vector<128xi32>
    %sign3A_287 = arith.cmpi sgt, %iota3A_281, %sign3A_286 : vector<128xi32>
    %sign3A_288 = arith.extui %sign3A_287 : vector<128xi1> to vector<128xi32>
    %sign3A_289 = arith.constant 0 : i32
    %sign3A_290 = vector.broadcast %sign3A_289 : i32 to vector<128xi32>
    %sign3A_291 = arith.cmpi slt, %iota3A_281, %sign3A_290 : vector<128xi32>
    %sign3A_292 = arith.extui %sign3A_291 : vector<128xi1> to vector<128xi32>
    %sign3A_293 = arith.subi %sign3A_288, %sign3A_292 : vector<128xi32>
    %sign3A_294 = arith.constant 0 : i32
    %sign3A_295 = arith.cmpi sgt, %jit3A_282, %sign3A_294 : i32
    %sign3A_296 = arith.extui %sign3A_295 : i1 to i32
    %sign3A_297 = arith.constant 0 : i32
    %sign3A_298 = arith.cmpi slt, %jit3A_282, %sign3A_297 : i32
    %sign3A_299 = arith.extui %sign3A_298 : i1 to i32
    %sign3A_300 = arith.subi %sign3A_296, %sign3A_299 : i32
    %ne3A_301 = vector.broadcast %sign3A_300 : i32 to vector<128xi32>
    %ne3A_302 = arith.cmpi ne, %sign3A_293, %ne3A_301 : vector<128xi32>
    %rem3A_303 = vector.broadcast %jit3A_282 : i32 to vector<128xi32>
    %rem3A_304 = arith.remsi %iota3A_281, %rem3A_303 : vector<128xi32>
    %ne3A_305 = arith.constant 0 : i32
    %ne3A_306 = vector.broadcast %ne3A_305 : i32 to vector<128xi32>
    %ne3A_307 = arith.cmpi ne, %rem3A_304, %ne3A_306 : vector<128xi32>
    %and3A_308 = arith.andi %ne3A_302, %ne3A_307 : vector<128xi1>
    %sub3A_309 = arith.constant 1 : i32
    %sub3A_310 = vector.broadcast %sub3A_309 : i32 to vector<128xi32>
    %sub3A_311 = arith.subi %div3A_284, %sub3A_310 : vector<128xi32>
    %select_n3A_312 = arith.select %and3A_308, %sub3A_311, %div3A_284 : vector<128xi1>, vector<128xi32>
    %mul3A_313 = arith.constant 8 : i32
    %mul3A_314 = vector.broadcast %mul3A_313 : i32 to vector<128xi32>
    %mul3A_315 = arith.muli %select_n3A_312, %mul3A_314 : vector<128xi32>
    %iota3A_316 = tpu.iota {dimensions = array<i32: 1>} : vector<1x128xi32>
    %iota3A_317 = vector.shape_cast %iota3A_316 : vector<1x128xi32> to vector<128xi32>
    %sub3A_318 = arith.constant -2 : i32
    %sub3A_319 = vector.broadcast %sub3A_318 : i32 to vector<128xi32>
    %sub3A_320 = arith.subi %iota3A_317, %sub3A_319 : vector<128xi32>
    %jit3A_321 = arith.constant 8 : i32
    %eq3A_322 = arith.constant 0 : i32
    %eq3A_323 = arith.cmpi eq, %jit3A_321, %eq3A_322 : i32
    %jit3A_324 = arith.constant 1 : i32
    %select_n3A_325 = arith.select %eq3A_323, %jit3A_324, %jit3A_321 : i32
    %rem3A_326 = vector.broadcast %select_n3A_325 : i32 to vector<128xi32>
    %rem3A_327 = arith.remsi %sub3A_320, %rem3A_326 : vector<128xi32>
    %ne3A_328 = arith.constant 0 : i32
    %ne3A_329 = vector.broadcast %ne3A_328 : i32 to vector<128xi32>
    %ne3A_330 = arith.cmpi ne, %rem3A_327, %ne3A_329 : vector<128xi32>
    %lt3A_331 = arith.constant 0 : i32
    %lt3A_332 = vector.broadcast %lt3A_331 : i32 to vector<128xi32>
    %lt3A_333 = arith.cmpi slt, %rem3A_327, %lt3A_332 : vector<128xi32>
    %lt3A_334 = arith.constant 0 : i32
    %lt3A_335 = arith.cmpi slt, %select_n3A_325, %lt3A_334 : i32
    %ne3A_336 = vector.broadcast %lt3A_335 : i1 to vector<128xi1>
    %ne3A_337 = vector.broadcast %ne3A_336 : vector<128xi1> to vector<128xi1>
    %ne3A_338 = arith.xori %lt3A_333, %ne3A_337 : vector<128xi1>
    %and3A_339 = arith.andi %ne3A_338, %ne3A_330 : vector<128xi1>
    %add3A_340 = vector.broadcast %select_n3A_325 : i32 to vector<128xi32>
    %add3A_341 = arith.addi %rem3A_327, %add3A_340 : vector<128xi32>
    %select_n3A_342 = arith.select %and3A_339, %add3A_341, %rem3A_327 : vector<128xi1>, vector<128xi32>
    %add3A_343 = arith.addi %mul3A_315, %select_n3A_342 : vector<128xi32>
    %broadcast_in_dim3A_344 = vector.shape_cast %add3A_343 : vector<128xi32> to vector<1x128xi32>
    %broadcast_in_dim3A_345 = vector.shape_cast %broadcast_in_dim3A_344 : vector<1x128xi32> to vector<1x128xi32>
    %broadcast_in_dim3A_346 = vector.broadcast %broadcast_in_dim3A_345 : vector<1x128xi32> to vector<3328x128xi32>
    %lt3A_347 = arith.constant 0 : i32
    %lt3A_348 = vector.broadcast %lt3A_347 : i32 to vector<3328x128xi32>
    %lt3A_349 = arith.cmpi slt, %broadcast_in_dim3A_346, %lt3A_348 : vector<3328x128xi32>
    %add3A_350 = arith.constant 128 : i32
    %add3A_351 = vector.broadcast %add3A_350 : i32 to vector<3328x128xi32>
    %add3A_352 = arith.addi %broadcast_in_dim3A_346, %add3A_351 : vector<3328x128xi32>
    %select_n3A_353 = arith.select %lt3A_349, %add3A_352, %broadcast_in_dim3A_346 : vector<3328x128xi1>, vector<3328x128xi32>
    %reshape3A_354 = vector.shape_cast %select_n3A_353 : vector<3328x128xi32> to vector<3328x128x1xi32>
    %gather3A_355 = vector.shape_cast %reshape3A_354 : vector<3328x128x1xi32> to vector<3328x128xi32>
    %gather3A_356 = tpu.dynamic_gather %select_n3A_278[%gather3A_355] in [1] : vector<3328x128xf32>, vector<3328x128xi32> -> vector<3328x128xf32>
    %sub3A_357 = arith.subf %add3A_279, %gather3A_356 : vector<3328x128xf32>
    %iota3A_358 = tpu.iota {dimensions = array<i32: 1>} : vector<1x128xi32>
    %iota3A_359 = vector.shape_cast %iota3A_358 : vector<1x128xi32> to vector<128xi32>
    %jit3A_360 = arith.constant 8 : i32
    %div3A_361 = vector.broadcast %jit3A_360 : i32 to vector<128xi32>
    %div3A_362 = arith.divsi %iota3A_359, %div3A_361 : vector<128xi32>
    %sign3A_363 = arith.constant 0 : i32
    %sign3A_364 = vector.broadcast %sign3A_363 : i32 to vector<128xi32>
    %sign3A_365 = arith.cmpi sgt, %iota3A_359, %sign3A_364 : vector<128xi32>
    %sign3A_366 = arith.extui %sign3A_365 : vector<128xi1> to vector<128xi32>
    %sign3A_367 = arith.constant 0 : i32
    %sign3A_368 = vector.broadcast %sign3A_367 : i32 to vector<128xi32>
    %sign3A_369 = arith.cmpi slt, %iota3A_359, %sign3A_368 : vector<128xi32>
    %sign3A_370 = arith.extui %sign3A_369 : vector<128xi1> to vector<128xi32>
    %sign3A_371 = arith.subi %sign3A_366, %sign3A_370 : vector<128xi32>
    %sign3A_372 = arith.constant 0 : i32
    %sign3A_373 = arith.cmpi sgt, %jit3A_360, %sign3A_372 : i32
    %sign3A_374 = arith.extui %sign3A_373 : i1 to i32
    %sign3A_375 = arith.constant 0 : i32
    %sign3A_376 = arith.cmpi slt, %jit3A_360, %sign3A_375 : i32
    %sign3A_377 = arith.extui %sign3A_376 : i1 to i32
    %sign3A_378 = arith.subi %sign3A_374, %sign3A_377 : i32
    %ne3A_379 = vector.broadcast %sign3A_378 : i32 to vector<128xi32>
    %ne3A_380 = arith.cmpi ne, %sign3A_371, %ne3A_379 : vector<128xi32>
    %rem3A_381 = vector.broadcast %jit3A_360 : i32 to vector<128xi32>
    %rem3A_382 = arith.remsi %iota3A_359, %rem3A_381 : vector<128xi32>
    %ne3A_383 = arith.constant 0 : i32
    %ne3A_384 = vector.broadcast %ne3A_383 : i32 to vector<128xi32>
    %ne3A_385 = arith.cmpi ne, %rem3A_382, %ne3A_384 : vector<128xi32>
    %and3A_386 = arith.andi %ne3A_380, %ne3A_385 : vector<128xi1>
    %sub3A_387 = arith.constant 1 : i32
    %sub3A_388 = vector.broadcast %sub3A_387 : i32 to vector<128xi32>
    %sub3A_389 = arith.subi %div3A_362, %sub3A_388 : vector<128xi32>
    %select_n3A_390 = arith.select %and3A_386, %sub3A_389, %div3A_362 : vector<128xi1>, vector<128xi32>
    %mul3A_391 = arith.constant 8 : i32
    %mul3A_392 = vector.broadcast %mul3A_391 : i32 to vector<128xi32>
    %mul3A_393 = arith.muli %select_n3A_390, %mul3A_392 : vector<128xi32>
    %iota3A_394 = tpu.iota {dimensions = array<i32: 1>} : vector<1x128xi32>
    %iota3A_395 = vector.shape_cast %iota3A_394 : vector<1x128xi32> to vector<128xi32>
    %sub3A_396 = arith.constant 3 : i32
    %sub3A_397 = vector.broadcast %sub3A_396 : i32 to vector<128xi32>
    %sub3A_398 = arith.subi %iota3A_395, %sub3A_397 : vector<128xi32>
    %jit3A_399 = arith.constant 8 : i32
    %eq3A_400 = arith.constant 0 : i32
    %eq3A_401 = arith.cmpi eq, %jit3A_399, %eq3A_400 : i32
    %jit3A_402 = arith.constant 1 : i32
    %select_n3A_403 = arith.select %eq3A_401, %jit3A_402, %jit3A_399 : i32
    %rem3A_404 = vector.broadcast %select_n3A_403 : i32 to vector<128xi32>
    %rem3A_405 = arith.remsi %sub3A_398, %rem3A_404 : vector<128xi32>
    %ne3A_406 = arith.constant 0 : i32
    %ne3A_407 = vector.broadcast %ne3A_406 : i32 to vector<128xi32>
    %ne3A_408 = arith.cmpi ne, %rem3A_405, %ne3A_407 : vector<128xi32>
    %lt3A_409 = arith.constant 0 : i32
    %lt3A_410 = vector.broadcast %lt3A_409 : i32 to vector<128xi32>
    %lt3A_411 = arith.cmpi slt, %rem3A_405, %lt3A_410 : vector<128xi32>
    %lt3A_412 = arith.constant 0 : i32
    %lt3A_413 = arith.cmpi slt, %select_n3A_403, %lt3A_412 : i32
    %ne3A_414 = vector.broadcast %lt3A_413 : i1 to vector<128xi1>
    %ne3A_415 = vector.broadcast %ne3A_414 : vector<128xi1> to vector<128xi1>
    %ne3A_416 = arith.xori %lt3A_411, %ne3A_415 : vector<128xi1>
    %and3A_417 = arith.andi %ne3A_416, %ne3A_408 : vector<128xi1>
    %add3A_418 = vector.broadcast %select_n3A_403 : i32 to vector<128xi32>
    %add3A_419 = arith.addi %rem3A_405, %add3A_418 : vector<128xi32>
    %select_n3A_420 = arith.select %and3A_417, %add3A_419, %rem3A_405 : vector<128xi1>, vector<128xi32>
    %add3A_421 = arith.addi %mul3A_393, %select_n3A_420 : vector<128xi32>
    %broadcast_in_dim3A_422 = vector.shape_cast %add3A_421 : vector<128xi32> to vector<1x128xi32>
    %broadcast_in_dim3A_423 = vector.shape_cast %broadcast_in_dim3A_422 : vector<1x128xi32> to vector<1x128xi32>
    %broadcast_in_dim3A_424 = vector.broadcast %broadcast_in_dim3A_423 : vector<1x128xi32> to vector<3328x128xi32>
    %lt3A_425 = arith.constant 0 : i32
    %lt3A_426 = vector.broadcast %lt3A_425 : i32 to vector<3328x128xi32>
    %lt3A_427 = arith.cmpi slt, %broadcast_in_dim3A_424, %lt3A_426 : vector<3328x128xi32>
    %add3A_428 = arith.constant 128 : i32
    %add3A_429 = vector.broadcast %add3A_428 : i32 to vector<3328x128xi32>
    %add3A_430 = arith.addi %broadcast_in_dim3A_424, %add3A_429 : vector<3328x128xi32>
    %select_n3A_431 = arith.select %lt3A_427, %add3A_430, %broadcast_in_dim3A_424 : vector<3328x128xi1>, vector<3328x128xi32>
    %reshape3A_432 = vector.shape_cast %select_n3A_431 : vector<3328x128xi32> to vector<3328x128x1xi32>
    %gather3A_433 = vector.shape_cast %reshape3A_432 : vector<3328x128x1xi32> to vector<3328x128xi32>
    %gather3A_434 = tpu.dynamic_gather %xor3A[%gather3A_433] in [1] : vector<3328x128xi32>, vector<3328x128xi32> -> vector<3328x128xi32>
    %ge3A_435 = arith.constant 3 : i32
    %ge3A_436 = vector.broadcast %ge3A_435 : i32 to vector<3328x128xi32>
    %ge3A_437 = arith.cmpi sge, %select_n3A_30, %ge3A_436 : vector<3328x128xi32>
    %select_n3A_438 = arith.select %ge3A_437, %add3A_12, %xor3A : vector<3328x128xi1>, vector<3328x128xi32>
    %lt3A_439 = arith.cmpi slt, %gather3A_434, %select_n3A_438 : vector<3328x128xi32>
    %jit3A_440 = arith.constant 1.000000e+00 : f32
    %jit3A_441 = arith.constant 0.000000e+00 : f32
    %broadcast_in_dim3A_442 = vector.broadcast %jit3A_440 : f32 to vector<3328x128xf32>
    %broadcast_in_dim3A_443 = vector.broadcast %jit3A_441 : f32 to vector<3328x128xf32>
    %select_n3A_444 = arith.select %lt3A_439, %broadcast_in_dim3A_442, %broadcast_in_dim3A_443 : vector<3328x128xi1>, vector<3328x128xf32>
    %add3A_445 = arith.addf %sub3A_357, %select_n3A_444 : vector<3328x128xf32>
    %iota3A_446 = tpu.iota {dimensions = array<i32: 1>} : vector<1x128xi32>
    %iota3A_447 = vector.shape_cast %iota3A_446 : vector<1x128xi32> to vector<128xi32>
    %jit3A_448 = arith.constant 8 : i32
    %div3A_449 = vector.broadcast %jit3A_448 : i32 to vector<128xi32>
    %div3A_450 = arith.divsi %iota3A_447, %div3A_449 : vector<128xi32>
    %sign3A_451 = arith.constant 0 : i32
    %sign3A_452 = vector.broadcast %sign3A_451 : i32 to vector<128xi32>
    %sign3A_453 = arith.cmpi sgt, %iota3A_447, %sign3A_452 : vector<128xi32>
    %sign3A_454 = arith.extui %sign3A_453 : vector<128xi1> to vector<128xi32>
    %sign3A_455 = arith.constant 0 : i32
    %sign3A_456 = vector.broadcast %sign3A_455 : i32 to vector<128xi32>
    %sign3A_457 = arith.cmpi slt, %iota3A_447, %sign3A_456 : vector<128xi32>
    %sign3A_458 = arith.extui %sign3A_457 : vector<128xi1> to vector<128xi32>
    %sign3A_459 = arith.subi %sign3A_454, %sign3A_458 : vector<128xi32>
    %sign3A_460 = arith.constant 0 : i32
    %sign3A_461 = arith.cmpi sgt, %jit3A_448, %sign3A_460 : i32
    %sign3A_462 = arith.extui %sign3A_461 : i1 to i32
    %sign3A_463 = arith.constant 0 : i32
    %sign3A_464 = arith.cmpi slt, %jit3A_448, %sign3A_463 : i32
    %sign3A_465 = arith.extui %sign3A_464 : i1 to i32
    %sign3A_466 = arith.subi %sign3A_462, %sign3A_465 : i32
    %ne3A_467 = vector.broadcast %sign3A_466 : i32 to vector<128xi32>
    %ne3A_468 = arith.cmpi ne, %sign3A_459, %ne3A_467 : vector<128xi32>
    %rem3A_469 = vector.broadcast %jit3A_448 : i32 to vector<128xi32>
    %rem3A_470 = arith.remsi %iota3A_447, %rem3A_469 : vector<128xi32>
    %ne3A_471 = arith.constant 0 : i32
    %ne3A_472 = vector.broadcast %ne3A_471 : i32 to vector<128xi32>
    %ne3A_473 = arith.cmpi ne, %rem3A_470, %ne3A_472 : vector<128xi32>
    %and3A_474 = arith.andi %ne3A_468, %ne3A_473 : vector<128xi1>
    %sub3A_475 = arith.constant 1 : i32
    %sub3A_476 = vector.broadcast %sub3A_475 : i32 to vector<128xi32>
    %sub3A_477 = arith.subi %div3A_450, %sub3A_476 : vector<128xi32>
    %select_n3A_478 = arith.select %and3A_474, %sub3A_477, %div3A_450 : vector<128xi1>, vector<128xi32>
    %mul3A_479 = arith.constant 8 : i32
    %mul3A_480 = vector.broadcast %mul3A_479 : i32 to vector<128xi32>
    %mul3A_481 = arith.muli %select_n3A_478, %mul3A_480 : vector<128xi32>
    %iota3A_482 = tpu.iota {dimensions = array<i32: 1>} : vector<1x128xi32>
    %iota3A_483 = vector.shape_cast %iota3A_482 : vector<1x128xi32> to vector<128xi32>
    %sub3A_484 = arith.constant -3 : i32
    %sub3A_485 = vector.broadcast %sub3A_484 : i32 to vector<128xi32>
    %sub3A_486 = arith.subi %iota3A_483, %sub3A_485 : vector<128xi32>
    %jit3A_487 = arith.constant 8 : i32
    %eq3A_488 = arith.constant 0 : i32
    %eq3A_489 = arith.cmpi eq, %jit3A_487, %eq3A_488 : i32
    %jit3A_490 = arith.constant 1 : i32
    %select_n3A_491 = arith.select %eq3A_489, %jit3A_490, %jit3A_487 : i32
    %rem3A_492 = vector.broadcast %select_n3A_491 : i32 to vector<128xi32>
    %rem3A_493 = arith.remsi %sub3A_486, %rem3A_492 : vector<128xi32>
    %ne3A_494 = arith.constant 0 : i32
    %ne3A_495 = vector.broadcast %ne3A_494 : i32 to vector<128xi32>
    %ne3A_496 = arith.cmpi ne, %rem3A_493, %ne3A_495 : vector<128xi32>
    %lt3A_497 = arith.constant 0 : i32
    %lt3A_498 = vector.broadcast %lt3A_497 : i32 to vector<128xi32>
    %lt3A_499 = arith.cmpi slt, %rem3A_493, %lt3A_498 : vector<128xi32>
    %lt3A_500 = arith.constant 0 : i32
    %lt3A_501 = arith.cmpi slt, %select_n3A_491, %lt3A_500 : i32
    %ne3A_502 = vector.broadcast %lt3A_501 : i1 to vector<128xi1>
    %ne3A_503 = vector.broadcast %ne3A_502 : vector<128xi1> to vector<128xi1>
    %ne3A_504 = arith.xori %lt3A_499, %ne3A_503 : vector<128xi1>
    %and3A_505 = arith.andi %ne3A_504, %ne3A_496 : vector<128xi1>
    %add3A_506 = vector.broadcast %select_n3A_491 : i32 to vector<128xi32>
    %add3A_507 = arith.addi %rem3A_493, %add3A_506 : vector<128xi32>
    %select_n3A_508 = arith.select %and3A_505, %add3A_507, %rem3A_493 : vector<128xi1>, vector<128xi32>
    %add3A_509 = arith.addi %mul3A_481, %select_n3A_508 : vector<128xi32>
    %broadcast_in_dim3A_510 = vector.shape_cast %add3A_509 : vector<128xi32> to vector<1x128xi32>
    %broadcast_in_dim3A_511 = vector.shape_cast %broadcast_in_dim3A_510 : vector<1x128xi32> to vector<1x128xi32>
    %broadcast_in_dim3A_512 = vector.broadcast %broadcast_in_dim3A_511 : vector<1x128xi32> to vector<3328x128xi32>
    %lt3A_513 = arith.constant 0 : i32
    %lt3A_514 = vector.broadcast %lt3A_513 : i32 to vector<3328x128xi32>
    %lt3A_515 = arith.cmpi slt, %broadcast_in_dim3A_512, %lt3A_514 : vector<3328x128xi32>
    %add3A_516 = arith.constant 128 : i32
    %add3A_517 = vector.broadcast %add3A_516 : i32 to vector<3328x128xi32>
    %add3A_518 = arith.addi %broadcast_in_dim3A_512, %add3A_517 : vector<3328x128xi32>
    %select_n3A_519 = arith.select %lt3A_515, %add3A_518, %broadcast_in_dim3A_512 : vector<3328x128xi1>, vector<3328x128xi32>
    %reshape3A_520 = vector.shape_cast %select_n3A_519 : vector<3328x128xi32> to vector<3328x128x1xi32>
    %gather3A_521 = vector.shape_cast %reshape3A_520 : vector<3328x128x1xi32> to vector<3328x128xi32>
    %gather3A_522 = tpu.dynamic_gather %select_n3A_444[%gather3A_521] in [1] : vector<3328x128xf32>, vector<3328x128xi32> -> vector<3328x128xf32>
    %sub3A_523 = arith.subf %add3A_445, %gather3A_522 : vector<3328x128xf32>
    %iota3A_524 = tpu.iota {dimensions = array<i32: 1>} : vector<1x128xi32>
    %iota3A_525 = vector.shape_cast %iota3A_524 : vector<1x128xi32> to vector<128xi32>
    %jit3A_526 = arith.constant 8 : i32
    %div3A_527 = vector.broadcast %jit3A_526 : i32 to vector<128xi32>
    %div3A_528 = arith.divsi %iota3A_525, %div3A_527 : vector<128xi32>
    %sign3A_529 = arith.constant 0 : i32
    %sign3A_530 = vector.broadcast %sign3A_529 : i32 to vector<128xi32>
    %sign3A_531 = arith.cmpi sgt, %iota3A_525, %sign3A_530 : vector<128xi32>
    %sign3A_532 = arith.extui %sign3A_531 : vector<128xi1> to vector<128xi32>
    %sign3A_533 = arith.constant 0 : i32
    %sign3A_534 = vector.broadcast %sign3A_533 : i32 to vector<128xi32>
    %sign3A_535 = arith.cmpi slt, %iota3A_525, %sign3A_534 : vector<128xi32>
    %sign3A_536 = arith.extui %sign3A_535 : vector<128xi1> to vector<128xi32>
    %sign3A_537 = arith.subi %sign3A_532, %sign3A_536 : vector<128xi32>
    %sign3A_538 = arith.constant 0 : i32
    %sign3A_539 = arith.cmpi sgt, %jit3A_526, %sign3A_538 : i32
    %sign3A_540 = arith.extui %sign3A_539 : i1 to i32
    %sign3A_541 = arith.constant 0 : i32
    %sign3A_542 = arith.cmpi slt, %jit3A_526, %sign3A_541 : i32
    %sign3A_543 = arith.extui %sign3A_542 : i1 to i32
    %sign3A_544 = arith.subi %sign3A_540, %sign3A_543 : i32
    %ne3A_545 = vector.broadcast %sign3A_544 : i32 to vector<128xi32>
    %ne3A_546 = arith.cmpi ne, %sign3A_537, %ne3A_545 : vector<128xi32>
    %rem3A_547 = vector.broadcast %jit3A_526 : i32 to vector<128xi32>
    %rem3A_548 = arith.remsi %iota3A_525, %rem3A_547 : vector<128xi32>
    %ne3A_549 = arith.constant 0 : i32
    %ne3A_550 = vector.broadcast %ne3A_549 : i32 to vector<128xi32>
    %ne3A_551 = arith.cmpi ne, %rem3A_548, %ne3A_550 : vector<128xi32>
    %and3A_552 = arith.andi %ne3A_546, %ne3A_551 : vector<128xi1>
    %sub3A_553 = arith.constant 1 : i32
    %sub3A_554 = vector.broadcast %sub3A_553 : i32 to vector<128xi32>
    %sub3A_555 = arith.subi %div3A_528, %sub3A_554 : vector<128xi32>
    %select_n3A_556 = arith.select %and3A_552, %sub3A_555, %div3A_528 : vector<128xi1>, vector<128xi32>
    %mul3A_557 = arith.constant 8 : i32
    %mul3A_558 = vector.broadcast %mul3A_557 : i32 to vector<128xi32>
    %mul3A_559 = arith.muli %select_n3A_556, %mul3A_558 : vector<128xi32>
    %iota3A_560 = tpu.iota {dimensions = array<i32: 1>} : vector<1x128xi32>
    %iota3A_561 = vector.shape_cast %iota3A_560 : vector<1x128xi32> to vector<128xi32>
    %sub3A_562 = arith.constant 4 : i32
    %sub3A_563 = vector.broadcast %sub3A_562 : i32 to vector<128xi32>
    %sub3A_564 = arith.subi %iota3A_561, %sub3A_563 : vector<128xi32>
    %jit3A_565 = arith.constant 8 : i32
    %eq3A_566 = arith.constant 0 : i32
    %eq3A_567 = arith.cmpi eq, %jit3A_565, %eq3A_566 : i32
    %jit3A_568 = arith.constant 1 : i32
    %select_n3A_569 = arith.select %eq3A_567, %jit3A_568, %jit3A_565 : i32
    %rem3A_570 = vector.broadcast %select_n3A_569 : i32 to vector<128xi32>
    %rem3A_571 = arith.remsi %sub3A_564, %rem3A_570 : vector<128xi32>
    %ne3A_572 = arith.constant 0 : i32
    %ne3A_573 = vector.broadcast %ne3A_572 : i32 to vector<128xi32>
    %ne3A_574 = arith.cmpi ne, %rem3A_571, %ne3A_573 : vector<128xi32>
    %lt3A_575 = arith.constant 0 : i32
    %lt3A_576 = vector.broadcast %lt3A_575 : i32 to vector<128xi32>
    %lt3A_577 = arith.cmpi slt, %rem3A_571, %lt3A_576 : vector<128xi32>
    %lt3A_578 = arith.constant 0 : i32
    %lt3A_579 = arith.cmpi slt, %select_n3A_569, %lt3A_578 : i32
    %ne3A_580 = vector.broadcast %lt3A_579 : i1 to vector<128xi1>
    %ne3A_581 = vector.broadcast %ne3A_580 : vector<128xi1> to vector<128xi1>
    %ne3A_582 = arith.xori %lt3A_577, %ne3A_581 : vector<128xi1>
    %and3A_583 = arith.andi %ne3A_582, %ne3A_574 : vector<128xi1>
    %add3A_584 = vector.broadcast %select_n3A_569 : i32 to vector<128xi32>
    %add3A_585 = arith.addi %rem3A_571, %add3A_584 : vector<128xi32>
    %select_n3A_586 = arith.select %and3A_583, %add3A_585, %rem3A_571 : vector<128xi1>, vector<128xi32>
    %add3A_587 = arith.addi %mul3A_559, %select_n3A_586 : vector<128xi32>
    %broadcast_in_dim3A_588 = vector.shape_cast %add3A_587 : vector<128xi32> to vector<1x128xi32>
    %broadcast_in_dim3A_589 = vector.shape_cast %broadcast_in_dim3A_588 : vector<1x128xi32> to vector<1x128xi32>
    %broadcast_in_dim3A_590 = vector.broadcast %broadcast_in_dim3A_589 : vector<1x128xi32> to vector<3328x128xi32>
    %lt3A_591 = arith.constant 0 : i32
    %lt3A_592 = vector.broadcast %lt3A_591 : i32 to vector<3328x128xi32>
    %lt3A_593 = arith.cmpi slt, %broadcast_in_dim3A_590, %lt3A_592 : vector<3328x128xi32>
    %add3A_594 = arith.constant 128 : i32
    %add3A_595 = vector.broadcast %add3A_594 : i32 to vector<3328x128xi32>
    %add3A_596 = arith.addi %broadcast_in_dim3A_590, %add3A_595 : vector<3328x128xi32>
    %select_n3A_597 = arith.select %lt3A_593, %add3A_596, %broadcast_in_dim3A_590 : vector<3328x128xi1>, vector<3328x128xi32>
    %reshape3A_598 = vector.shape_cast %select_n3A_597 : vector<3328x128xi32> to vector<3328x128x1xi32>
    %gather3A_599 = vector.shape_cast %reshape3A_598 : vector<3328x128x1xi32> to vector<3328x128xi32>
    %gather3A_600 = tpu.dynamic_gather %xor3A[%gather3A_599] in [1] : vector<3328x128xi32>, vector<3328x128xi32> -> vector<3328x128xi32>
    %ge3A_601 = arith.constant 4 : i32
    %ge3A_602 = vector.broadcast %ge3A_601 : i32 to vector<3328x128xi32>
    %ge3A_603 = arith.cmpi sge, %select_n3A_30, %ge3A_602 : vector<3328x128xi32>
    %select_n3A_604 = arith.select %ge3A_603, %add3A_12, %xor3A : vector<3328x128xi1>, vector<3328x128xi32>
    %lt3A_605 = arith.cmpi slt, %gather3A_600, %select_n3A_604 : vector<3328x128xi32>
    %jit3A_606 = arith.constant 1.000000e+00 : f32
    %jit3A_607 = arith.constant 0.000000e+00 : f32
    %broadcast_in_dim3A_608 = vector.broadcast %jit3A_606 : f32 to vector<3328x128xf32>
    %broadcast_in_dim3A_609 = vector.broadcast %jit3A_607 : f32 to vector<3328x128xf32>
    %select_n3A_610 = arith.select %lt3A_605, %broadcast_in_dim3A_608, %broadcast_in_dim3A_609 : vector<3328x128xi1>, vector<3328x128xf32>
    %add3A_611 = arith.addf %sub3A_523, %select_n3A_610 : vector<3328x128xf32>
    %ge3A_612 = arith.constant 1.000000e+00 : f32
    %ge3A_613 = vector.broadcast %ge3A_612 : f32 to vector<3328x128xf32>
    %ge3A_614 = arith.cmpf oge, %add3A_611, %ge3A_613 : vector<3328x128xf32>
    %jit3A_615 = arith.constant 0.000000e+00 : f32
    %broadcast_in_dim3A_616 = vector.broadcast %jit3A_615 : f32 to vector<3328x128xf32>
    %select_n3A_617 = arith.select %ge3A_614, %get3A_4, %broadcast_in_dim3A_616 : vector<3328x128xi1>, vector<3328x128xf32>
    %swap3A = arith.constant 0 : index
    %swap3A_618 = arith.constant 0 : index
    %swap3A_619 = vector.load %arg4[%swap3A, %swap3A_618] : memref<3328x128xf32, #tpu.memory_space<vmem>>, vector<3328x128xf32>
    tpu.vector_store %arg4[%swap3A, %swap3A_618], %select_n3A_617 {strides = array<i32>} : memref<3328x128xf32, #tpu.memory_space<vmem>>, vector<3328x128xf32>,
    return
  }
  func.func @transform_0(%arg0: i32, %arg1: i32) -> (i32, i32) {
    %c0_i32 = arith.constant 0 : i32
    return %arg0, %arg1 : i32, i32
  }
  func.func @transform_1(%arg0: i32, %arg1: i32) -> (i32, i32) {
    %c0_i32 = arith.constant 0 : i32
    return %arg0, %arg1 : i32, i32
  }
  func.func @transform_2(%arg0: i32, %arg1: i32) -> (i32, i32) {
    %c0_i32 = arith.constant 0 : i32
    return %arg0, %arg1 : i32, i32
  }
}

</mosaic_0001>

<sc_bundles>
// kernel: kernel.4.cloned.1.call-start
scs
__scs_entry_jumppad:
0x0: {  	(pc) =	sbr.rel $0x88, $3  }
0x1: {  	(tag) =	ssettag $0x0;
	lr =	simm.s32 $0x1  }
0x2: {  	[smem:$0x3F9F] =	sst lr;
	_ =	strace $0xD0000000  }
0x3: {  	_ = 	snop  }
0x4: {  	_ = 	snop  }
0x5: {  	_ = 	snop  }
0x6: {  	_ = 	snop  }
0x7: {  	_ = 	snop  }
__scs_overlays_trampoline_lowered:
0x8: {  	[smem:$0x3FAE] =	sst s0  }
0x9: {  	[smem:$0x3FAF] =	sst s1  }
0xa: {  	[smem:$0x3FB0] =	sst s2  }
0xb: {  	[smem:$0x3FB1] =	sst s3  }
0xc: {  	[smem:$0x3FB2] =	sst s4  }
0xd: {  	[smem:$0x3FB3] =	sst s5  }
0xe: {  	[smem:$0x3FB4] =	sst s6  }
0xf: {  	[smem:$0x3FB5] =	sst s7  }
0x10: {  	[smem:$0x3FB6] =	sst s8  }
0x11: {  	[smem:$0x3FB7] =	sst s9;
	s0 =	simm.s32 @!p0 $0x0  }
0x12: {  	s1 =	sld [smem:$0x3F9D];
	s0 =	simm.s32 @p0 $0x1  }
0x13: {  	[smem:$0x3FB8] =	sst s0;
	s0 =	simm.s32 @!p1 $0x0  }
0x14: {  	s2 =	sld [smem:$0x3F9C];
	s0 =	simm.s32 @p1 $0x1  }
0x15: {  	[smem:$0x3FB9] =	sst s0;
	s0 =	simm.s32 @!p2 $0x0  }
0x16: {  	s3 =	sld [smem:$0x3FDB];
	s0 =	simm.s32 @p2 $0x1  }
0x17: {  	s4 =	simm.s32 $0x1BF5;
	[smem:$0x3FBB] =	sst s0  }
0x18: {  	s0 =	sld [smem:$0x3F9E];
	_ =	swait.ge [sflag:s4], $0x0  }
0x19: {  	s7 =	sld [smem:$0x3F9F]  }
0x1a: {  	s8 =	sadd.s32 $0xFFFFE003, lr  }
0x1b: {  	s9 =	sadd.s32 $0xFFFFFEF7, lr;
	s5 =	simm.s32 $0xFFFFFFFF;
	p2 =	slt.u32 s8, $0xFFFFF086  }
0x1c: {  	p1 =	slt.u32 s9, $0xF7A;
	s5 =	simm.s32 @!p2 $0x0  }
0x1d: {  	s5 =	simm.s32 @p1 $0x1;
	p0 =	seq.s32 s7, s2  }
0x1e: {  	s7 =	smul.u32 @!p0 $0xF7A, s2;
	p2 =	seq.s32 @!p0 s5, $0x0  }
0x1f: {  	s9 =	smul.u32 $0xF7A, s1;
	s8 =	simm.s32 @!p0 $0x1BF5;
	p2 =	por !p2, p0  }
0x20: {  	[sflag:s8] =	ssyncset.s32 @!p0 $0xFFFFF086;
	s6 =	sadd.s32 @!p0 s3, s7;
	s7 =	simm.s32 @!p0 $0x108  }
0x21: {  	s3 =	sadd.s32 s3, s9;
	s6 =	sadd.s32 @!p0 $0x88, s6;
	s7 =	simm.s32 @p2 $0x1082  }
0x22: {  	[simem:s7], [sflag:s8] =	dma.local @!p0 [hbm:s6], $0xF7A  }
0x23: {  	s9 =	sor.u32 $0xD0000000, s2;
	s6 =	simm.s32 $0x108;
	_ =	swait.ge @!p0 [sflag:s8], $0x0  }
0x24: {  	s3 =	sadd.s32 $0x88, s3;
	s6 =	simm.s32 @!p1 $0x1082;
	[sflag:s4] =	ssyncset.s32 $0xFFFFF086  }
0x25: {  	[simem:s6], [sflag:s4] =	dma.local [hbm:s3], $0xF7A  }
0x26: {  	[smem:$0x3F9F] =	sst s1;
	(tag) =	ssettag s2;
	_ =	strace s9  }
0x27: {  	s1 =	sld [smem:$0x3FAF]  }
0x28: {  	s2 =	sld [smem:$0x3FB0]  }
0x29: {  	s4 =	sld [smem:$0x3FB2]  }
0x2a: {  	p0 =	seq.s32 s5, $0x0;
	s5 =	sld [smem:$0x3FB3]  }
0x2b: {  	s6 =	sld [smem:$0x3FB4]  }
0x2c: {  	s7 =	sld [smem:$0x3FB5]  }
0x2d: {  	s3 =	simm.s32 $0x108;
	s8 =	sld [smem:$0x3FB6]  }
0x2e: {  	s3 =	simm.s32 @!p0 $0x1082;
	s9 =	sld [smem:$0x3FB7]  }
0x2f: {  	lr =	sadd.s32 s0, s3;
	s0 =	sld [smem:$0x3FAE]  }
0x30: {  	s3 =	sld [smem:$0x3FB1]  }
0x31: {  	[smem:$0x3FBA] =	sst s10  }
0x32: {  	s10 =	sld [smem:$0x3FB8];
	_ =	sdelay $0x3  }
0x33: {  	p0 =	seq.s32 s10, $0x1;
	s10 =	sld [smem:$0x3FBA];
	_ =	sdelay $0x3  }
0x34: {  	[smem:$0x3FBA] =	sst s10  }
0x35: {  	s10 =	sld [smem:$0x3FB9];
	_ =	sdelay $0x3  }
0x36: {  	p1 =	seq.s32 s10, $0x1;
	s10 =	sld [smem:$0x3FBA];
	_ =	sdelay $0x3  }
0x37: {  	[smem:$0x3FBA] =	sst s10  }
0x38: {  	s10 =	sld [smem:$0x3FBB]  }
0x39: {  	_ = 	snop;
	(pc) =	sbr.ind lr, $3  }
0x3a: {  	_ = 	snop  }
0x3b: {  	_ = 	snop  }
0x3c: {  	p2 =	seq.s32 s10, $0x1;
	s10 =	sld [smem:$0x3FBA]  }
0x3d: {  	_ =	shalt  }
0x3e: {  	_ =	shalt  }
0x3f: {  	_ =	shalt  }
0x40: {  	_ =	shalt  }
0x41: {  	_ =	shalt  }
0x42: {  	_ =	shalt  }
0x43: {  	_ =	shalt  }
0x44: {  	_ =	shalt  }
0x45: {  	_ =	shalt  }
0x46: {  	_ =	shalt  }
0x47: {  	_ =	shalt  }
0x48: {  	_ =	shalt  }
0x49: {  	_ =	shalt  }
0x4a: {  	_ =	shalt  }
0x4b: {  	_ =	shalt  }
0x4c: {  	_ =	shalt  }
0x4d: {  	_ =	shalt  }
0x4e: {  	_ =	shalt  }
0x4f: {  	_ =	shalt  }
0x50: {  	_ =	shalt  }
0x51: {  	_ =	shalt  }
0x52: {  	_ =	shalt  }
0x53: {  	_ =	shalt  }
0x54: {  	_ =	shalt  }
0x55: {  	_ =	shalt  }
0x56: {  	_ =	shalt  }
0x57: {  	_ =	shalt  }
0x58: {  	_ =	shalt  }
0x59: {  	_ =	shalt  }
0x5a: {  	_ =	shalt  }
0x5b: {  	_ =	shalt  }
0x5c: {  	_ =	shalt  }
0x5d: {  	_ =	shalt  }
0x5e: {  	_ =	shalt  }
0x5f: {  	_ =	shalt  }
0x60: {  	_ =	shalt  }
0x61: {  	_ =	shalt  }
0x62: {  	_ =	shalt  }
0x63: {  	_ =	shalt  }
0x64: {  	_ =	shalt  }
0x65: {  	_ =	shalt  }
0x66: {  	_ =	shalt  }
0x67: {  	_ =	shalt  }
0x68: {  	_ =	shalt  }
0x69: {  	_ =	shalt  }
0x6a: {  	_ =	shalt  }
0x6b: {  	_ =	shalt  }
0x6c: {  	_ =	shalt  }
0x6d: {  	_ =	shalt  }
0x6e: {  	_ =	shalt  }
0x6f: {  	_ =	shalt  }
0x70: {  	_ =	shalt  }
0x71: {  	_ =	shalt  }
0x72: {  	_ =	shalt  }
0x73: {  	_ =	shalt  }
0x74: {  	_ =	shalt  }
0x75: {  	_ =	shalt  }
0x76: {  	_ =	shalt  }
0x77: {  	_ =	shalt  }
0x78: {  	_ =	shalt  }
0x79: {  	_ =	shalt  }
0x7a: {  	_ =	shalt  }
0x7b: {  	_ =	shalt  }
0x7c: {  	_ =	shalt  }
0x7d: {  	_ =	shalt  }
0x7e: {  	_ =	shalt  }
0x7f: {  	_ =	shalt  }
0x80: {  	_ =	shalt  }
0x81: {  	_ =	shalt  }
0x82: {  	_ =	shalt  }
0x83: {  	_ =	shalt  }
0x84: {  	_ =	shalt  }
0x85: {  	_ =	shalt  }
0x86: {  	_ =	shalt  }
0x87: {  	_ =	shalt  }
.Lfunc_end0:
.L_simem_size_0:
called_computation_lowered:
.L_overlay_start_0:
0x88: {  	s2 =	sld [smem:$0x3FD9]  }
0x89: {  	s3 =	sld [smem:$0x3FFE];
	_ =	sdelay $0x1  }
0x8a: {  	s1 =	srdreg.scid  }
0x8b: {  	s0 =	sand.u32 $0x1, s1  }
0x8c: {  	s17 =	sshll.u32 s0, $0xA;
	s2 =	sadd.s32 s3, s2  }
0x8d: {  	s2 =	sadd.s32 s2, s17  }
0x8e: {  	[smem:$0x3FC6] =	sst s2  }
0x8f: {  	_ = 	snop  }
0x90: {  	s2 =	sld [smem:$0x3FC9]  }
0x91: {  	s18 =	sld [smem:$0x3FC8];
	(tm) =	ssettm $0x1  }
0x92: {  	s4 =	sld [smem:$0x3FFB];
	_ =	sdelay $0x3  }
0x93: {  	_ =	strace s4  }
0x94: {  	s4 =	sld [smem:$0x3FFC];
	_ =	sdelay $0x3  }
0x95: {  	_ =	strace s4  }
0x96: {  	s4 =	sld [smem:$0x3FFD];
	_ =	sdelay $0x3  }
0x97: {  	_ =	strace s4  }
0x98: {  	_ =	strace $0x8FFFFFFF  }
0x99: {  	s19 =	sld [smem:$0x3FDB];
	_ =	sdelay $0x1  }
0x9a: {  	s5 =	simm.s32 $_scs_section_size  }
0x9b: {  	s6 =	simm.s32 $_size__tile_overlayer_lowered;
	s7 =	simm.s32 $_tile_overlayer_lowered  }
0x9c: {  	s22 =	simm.s32 $0x1BFF;
	s21 =	sshll.u32 s7, $0x1;
	s4 =	sadd.s32 s5, s19  }
0x9d: {  	s8 =	simm.s32 $0x0;
	s20 =	sshll.u32 s6, $0x1;
	s6 =	sadd.s32 s21, s4  }
0x9e: {  	[timem:s8], [sflag:s22] =	dma.local [hbm:s6], s20  }
0x9f: {  	_ =	swait.ge [sflag:s22], s20  }
0xa0: {  	s5 =	ssub.s32 $0x0, s20;
	[sflag:s22] =	ssyncset.done $0x0  }
0xa1: {  	[sflag:s22] =	ssyncadd.s32 s5;
	_ =	sdelay $0x1  }
0xa2: {  	s23 =	simm.s32 $0x1B8B  }
0xa3: {  	_ =	swait.ge [sflag:s23], $0x1  }
0xa4: {  	[sflag:s23] =	ssyncset.done $0x0  }
0xa5: {  	s25 =	simm.s32 $0x1B8E;
	s24 =	sld [smem:$0x3FFE];
	[sflag:s23] =	ssyncadd.s32 $0xFFFFFFFF  }
0xa6: {  	s26 =	simm.s32 $execute0_lowered;
	[smem:$0x3FD2] =	sst s25  }
0xa7: {  	s6 =	sshll.u32 s26, $0x1;
	_ =	strace $0x80000046;
	[dreg:$0x1] =	wrdreg $0xFFFFFFFF  }
0xa8: {  	s28 =	simm.s32 $_size_execute0_lowered;
	s4 =	sadd.s32 s4, s6;
	[dreg:$0x0] =	wrdreg $0x0  }
0xa9: {  	s6 =	sshll.u32 s28, $0x1;
	[dreg:$0x2] =	wrdreg s4  }
0xaa: {  	[dreg:$0x3] =	wrdreg s6  }
0xab: {  	[dreg:$0x4] =	wrdreg $0xC0  }
0xac: {  	_ =	task [dreg:s8], $0x5FFFF  }
0xad: {  	[dreg:$0x1] =	wrdreg $0xFFFFFFFF  }
0xae: {  	[dreg:$0x0] =	wrdreg $0x60  }
0xaf: {  	[dreg:$0x2] =	wrdreg s2  }
0xb0: {  	[dreg:$0x3] =	wrdreg s18  }
0xb1: {  	[dreg:$0x4] =	wrdreg s24  }
0xb2: {  	[dreg:$0x5] =	wrdreg $0x9  }
0xb3: {  	_ =	task.clear_ibuf [dreg:s8], $0x6FFFF;
	_ =	strace $0x90000046  }
0xb4: {  	s29 =	simm.s32 $0x9;
	_ =	strace $0x80000048  }
0xb5: {  	_ =	swait.ge [sflag:s29], $0x1  }
0xb6: {  	[sflag:s29] =	ssyncadd.s32 $0xFFFFFFFF  }
0xb7: {  	_ =	strace $0x90000048  }
0xb8: {  	_ =	sfence  }
0xb9: {  	s30 =	sld [smem:$0x0];
	_ =	sdelay $0x2  }
0xba: {  	s31 =	sshll.u32 s1, $0xD;
	s1 =	sshrl.u32 s1, $0x2  }
0xbb: {  	s3 =	sand.u32 $0x4000, s31;
	s1 =	sadd.s32 s1, s30  }
0xbc: {  	s0 =	sor.u32 s3, s0;
	s1 =	sshll.u32 s1, $0x11  }
0xbd: {  	s0 =	sor.u32 s1, s0  }
0xbe: {  	s0 =	sadd.s32 $0x8F2B, s0  }
0xbf: {  	[sflag:s0] =	ssyncadd.remote.s32 $0x1  }
0xc0: {  	_ =	sfence.sel $0xFFFF  }
0xc1: {  	[dreg:$0x0] =	wrdreg $0xFFFFFFFF;
	(pc) =	sbr.abs _section_cstart, $3  }
0xc2: {  	[dreg:$0x1] =	wrdreg $0xFFFFFFFF  }
0xc3: {  	_ =	task.clear_ibuf [dreg:s8], $0x2FFFF;
	_ =	strace $0x9FFFFFFF  }
0xc4: {  	(tm) =	ssettm $0x7FFFFFFF  }
0xc5: {  	_ =	shalt  }
tec
execute0_lowered:
.L_overlay_start_1:
0x0: {  	(tag) =	ssettag $0x1  }
0x1: {  	v0 =	vimm.s32 $0xEDCBA98F;
	v1 =	vimm.s32 $0x65432107  }
0x2: {  	v2 =	vimm.s32 $0x11111110;
	v3 =	vimm.s32 $0xDCBA98FE;
	v4 =	vimm.s32 $0x54321076  }
0x3: {  	v5 =	vimm.s32 $0xCBA98FED;
	v6 =	vimm.s32 $0x43210765;
	v7 =	vimm.s32 $0xBA98FEDC  }
0x4: {  	v8 =	vimm.s32 $0x32107654;
	v9 =	vimm.s32 $0x11111000;
	v13 =	vimm.s32 $0x8FEDCBA9  }
0x5: {  	v14 =	vimm.s32 $0x7654321;
	v16 =	vimm.s32 $0x11100000;
	v0 =	vunpack.c.l.s4.s8 v0  }
0x6: {  	v1 =	vunpack.c.l.s4.s8 v1;
	v2 =	vunpack.c.l.s4.s8 v2;
	v3 =	vunpack.c.l.s4.s8 v3  }
0x7: {  	v4 =	vunpack.c.l.s4.s8 v4;
	v5 =	vunpack.c.l.s4.s8 v5;
	v6 =	vunpack.c.l.s4.s8 v6  }
0x8: {  	v12 =	vunpack.c.l.s4.s8 v9;
	v9 =	vimm.s32 $0x98FEDCBA;
	v13 =	vunpack.c.l.s4.s8 v13  }
0x9: {  	v14 =	vunpack.c.l.s4.s8 v14;
	v3 =	vunpack.c.0.s8.s32 v3;
	v4 =	vunpack.c.0.s8.s32 v4  }
0xa: {  	v9 =	vunpack.c.l.s4.s8 v9;
	v0 =	vunpack.c.0.s8.s32 v0;
	v1 =	vunpack.c.0.s8.s32 v1  }
0xb: {  	v3 =	vcombine.low v4, v3;
	v4 =	vunpack.c.l.s4.s8 v7;
	v7 =	vunpack.c.l.s4.s8 v8  }
0xc: {  	v5 =	vunpack.c.0.s8.s32 v5;
	v6 =	vunpack.c.0.s8.s32 v6;
	v13 =	vunpack.c.0.s8.s32 v13  }
0xd: {  	v8 =	vimm.s32 $0x11111100;
	v10 =	vunpack.c.0.s8.s32 v4;
	v7 =	vunpack.c.0.s8.s32 v7  }
0xe: {  	v11 =	vunpack.c.l.s4.s8 v8;
	v8 =	vimm.s32 $0x21076543;
	v4 =	vcombine.low v6, v5  }
0xf: {  	s0 =	rddreg [dreg:$0x0];
	v5 =	vcombine.low v7, v10;
	v7 =	vimm.s32 $0xA98FEDCB;
	v10 =	vimm.s32 $0x10765432  }
0x10: {  	s1 =	rddreg [dreg:$0x1];
	v8 =	vunpack.c.l.s4.s8 v8;
	v7 =	vunpack.c.l.s4.s8 v7;
	v10 =	vunpack.c.l.s4.s8 v10  }
0x11: {  	s5 =	rddreg [dreg:$0x2];
	v14 =	vunpack.c.0.s8.s32 v14;
	v9 =	vunpack.c.0.s8.s32 v9;
	v0 =	vcombine.low v1, v0  }
0x12: {  	s2 =	rddreg [dreg:$0x3];
	s6 =	srdreg.scid;
	v8 =	vunpack.c.0.s8.s32 v8;
	v7 =	vunpack.c.0.s8.s32 v7;
	v10 =	vunpack.c.0.s8.s32 v10  }
0x13: {  	s4 =	simm.s32 $0x0;
	s3 =	stileid.u32;
	s10 =	simm.s32 $0x1;
	v1 =	vunpack.c.0.s8.s32 v2;
	v2 =	vimm.s32 $0x0;
	v6 =	vlaneseq.u32  }
0x14: {  	s11 =	simm.s32 $0x1000;
	s12 =	simm.s32 $0x2000;
	s6 =	sand.u32 $0x1, s6;
	v15 =	vshrl.u32 v6, $0x2;
	v6 =	vcombine.low v8, v7;
	v7 =	vcombine.low v10, v9  }
0x15: {  	[smem:$0x7FF] =	sst s4;
	s8 =	sshll.u32 s3, $0x1;
	s7 =	ssub.s32 $0x2, s6;
	v9 =	vimm.s32 $0x11000000;
	v8 =	vcombine.low v14, v13;
	v10 =	vimm.s32 $0x10000000  }
0x16: {  	s5 =	sadd.s32 $0x400, s5;
	_ =	strace $0x80000047;
	s9 =	sshrl.u32 s7, $0x1;
	v13 =	vunpack.c.l.s4.s8 v16;
	v14 =	vunpack.c.l.s4.s8 v9;
	v63 =	vunpack.c.l.s4.s8 v10  }
0x17: {  	s6 =	sor.u32 s6, s8;
	s8 =	simm.s32 $0x80;
	s7 =	ssub.s32 s7, s9;
	v9 =	vunpack.c.0.s8.s32 v11;
	v10 =	vunpack.c.0.s8.s32 v12;
	v11 =	vand.u32 $0x1, v15  }
0x18: {  	s6 =	smul.u32 $0x30, s6;
	s9 =	simm.s32 $0x400;
	s7 =	smax.u32 s7, $0x1;
	v12 =	vunpack.c.0.s8.s32 v13;
	v13 =	vunpack.c.0.s8.s32 v14;
	v14 =	vunpack.c.0.s8.s32 v63  }
.LBB2_1:
0x19: {  	s13 =	simm.s32 $0x0  }
.LBB2_2:
0x1a: {  	s14 =	sadd.s32 s6, s13  }
0x1b: {  	s15 =	sshll.u32 s13, $0x4;
	s14 =	sshll.u32 s14, $0x9  }
0x1c: {  	s15 =	sand.u32 $0x70, s15;
	s14 =	sand.u32 $0xFFFF000, s14  }
0x1d: {  	s16 =	sor.u32 s15, s14  }
0x1e: {  	s16 =	sadd.s32 $0x340000, s16  }
0x1f: {  	s18 =	simm.s32 $0x0;
	s17 =	sadd.s32 s1, s16  }
0x20: {  	[tilespmem:s18], [sflag:$0x1] =	stream.strided.gather [hbm4b:s17+s8], $0x1000, s9, s8, $0x38;
	[tilespmem:$0x3000] =	vst v63  }
0x21: {  	_ =	swait.ge [sflag:s10], $0x1000  }
0x22: {  	[sflag:s10] =	ssyncset.done $0x0  }
0x23: {  	s16 =	sadd.s32 s0, s16;
	[sflag:s10] =	ssyncadd.s32 $0xFFFFF000  }
0x24: {  	[tilespmem:s11], [sflag:$0x1] =	stream.strided.gather [hbm4b:s16+s8], $0x1000, s9, s8, $0x38;
	[tilespmem:$0x3000] =	vst v63  }
0x25: {  	_ =	swait.ge [sflag:s10], $0x1000  }
0x26: {  	[sflag:s10] =	ssyncset.done $0x0  }
0x27: {  	s17 =	simm.s32 $0x0;
	[sflag:s10] =	ssyncadd.s32 $0xFFFFF000  }
0x28: {  	v15 =	vld [tilespmem:s17+$0x0];
	_ =	sdelay $0x2  }
0x29: {  	s16 =	simm.s32 $0x10  }
0x2a: {  	v16 =	vld [tilespmem:s16+$0x0]  }
0x2b: {  	vm0 =	veq.f32 v15, $0.0e+00  }
0x2c: {  	v15 =	vsel vm0, $0x0, v15  }
0x2d: {  	v17 =	vshra.s32 v15, $0x1F  }
0x2e: {  	v17 =	vshrl.u32 v17, $0x1  }
0x2f: {  	vm0 =	veq.f32 v16, $0.0e+00;
	v23 =	vxor.u32 v15, v17  }
0x30: {  	v15 =	vsel vm0, $0x0, v16;
	v16 =	vadd.s32 v14, v23  }
0x31: {  	v19 =	vadd.s32 v12, v23;
	v18 =	vadd.s32 v13, v23;
	v17 =	vperm.xlane v23, v8  }
0x32: {  	v22 =	vadd.s32 v11, v23;
	v21 =	vperm.xlane v23, v6;
	v20 =	vperm.xlane v23, v7  }
0x33: {  	v24 =	vperm.xlane v23, v0;
	v25 =	vperm.xlane v23, v3;
	v26 =	vadd.s32 v10, v23  }
0x34: {  	v27 =	vadd.s32 v1, v23;
	v28 =	vadd.s32 v9, v23;
	v29 =	vperm.xlane v23, v4  }
0x35: {  	v23 =	vperm.xlane v23, v5;
	vm0 =	vlt.s32 v24, v27;
	vm1 =	vlt.s32 v25, v28  }
0x36: {  	s18 =	simm.s32 $0x80;
	v24 =	vsel vm0, $0x1, v2;
	v25 =	vsel vm1, $0x1, v2;
	vm0 =	vlt.s32 v29, v26  }
.LBB2_3:
0x37: {  	s19 =	sshra.s32 s18, $0x2;
	p0 =	sne.s32 s18, $0x3FC0;
	v24 =	vadd.s32 v25, v24;
	v25 =	vsel vm0, $0x1, v2;
	vm0 =	vlt.s32 v23, v22  }
0x38: {  	v22 =	vld [tilespmem:s19+$0x0];
	v23 =	vadd.s32 v25, v24;
	v24 =	vsel vm0, $0x1, v2;
	vm0 =	vlt.s32 v21, v19  }
0x39: {  	v19 =	vadd.s32 v24, v23;
	v21 =	vsel vm0, $0x1, v2;
	vm0 =	vlt.s32 v20, v18;
	v18 =	vld [tilespmem:s17+$0x1000]  }
0x3a: {  	v19 =	vadd.s32 v21, v19;
	v20 =	vsel vm0, $0x1, v2;
	vm0 =	vlt.s32 v17, v16  }
0x3b: {  	v16 =	vshra.s32 v15, $0x1F;
	v17 =	vadd.s32 v20, v19;
	v19 =	vsel vm0, $0x1, v2  }
0x3c: {  	v16 =	vshrl.u32 v16, $0x1;
	v17 =	vadd.s32 v19, v17  }
0x3d: {  	v23 =	vxor.u32 v15, v16;
	vm0 =	veq.f32 v22, $0.0e+00;
	vm1 =	vgt.u32 v17, $0x3  }
0x3e: {  	v16 =	vadd.s32 v14, v23;
	v15 =	vsel vm0, $0x0, v22;
	v20 =	vnsel vm1, $0x0, v18  }
0x3f: {  	v19 =	vadd.s32 v12, v23;
	v17 =	vperm.xlane v23, v8;
	v18 =	vadd.s32 v13, v23;
	[tilespmem:s17+$0x2000] =	vst v20;
	s17 =	smov.u32 s16;
	s16 =	smov.u32 s19  }
.Ltmp0:
0x40: {  	v21 =	vperm.xlane v23, v6;
	v22 =	vadd.s32 v11, v23;
	v20 =	vperm.xlane v23, v7;
	(pc) =	sbr.rel @p0 .LBB2_3-.Ltmp0, $4  }
0x41: {  	v24 =	vperm.xlane v23, v0;
	v25 =	vperm.xlane v23, v3;
	v26 =	vadd.s32 v10, v23  }
0x42: {  	v27 =	vadd.s32 v1, v23;
	v28 =	vadd.s32 v9, v23;
	v29 =	vperm.xlane v23, v4  }
0x43: {  	vm0 =	vlt.s32 v24, v27;
	vm1 =	vlt.s32 v25, v28;
	v23 =	vperm.xlane v23, v5  }
0x44: {  	s18 =	sadd.s32 $0x40, s18;
	v24 =	vsel vm0, $0x1, v2;
	v25 =	vsel vm1, $0x1, v2;
	vm0 =	vlt.s32 v29, v26  }
0x45: {  	v24 =	vadd.s32 v25, v24  }
0x46: {  	v40 =	vsel vm0, $0x1, v2;
	vm4 =	vlt.s32 v23, v22;
	vm5 =	vlt.s32 v21, v19  }
0x47: {  	vm6 =	vlt.s32 v20, v18;
	vm7 =	vlt.s32 v17, v16;
	v44 =	vshra.s32 v15, $0x1F  }
0x48: {  	v41 =	vadd.s32 v40, v24;
	v23 =	vsel vm4, $0x1, v2;
	v21 =	vsel vm5, $0x1, v2  }
0x49: {  	v20 =	vsel vm6, $0x1, v2;
	v16 =	vshrl.u32 v44, $0x1;
	v42 =	vadd.s32 v23, v41  }
0x4a: {  	v46 =	vsel vm7, $0x1, v2;
	v15 =	vxor.u32 v15, v16;
	v19 =	vadd.s32 v21, v42  }
0x4b: {  	v16 =	vadd.s32 v14, v15;
	v47 =	vadd.s32 v12, v15;
	v49 =	vperm.xlane v15, v8  }
0x4c: {  	v48 =	vadd.s32 v13, v15;
	v51 =	vperm.xlane v15, v6;
	v52 =	vperm.xlane v15, v0  }
0x4d: {  	v50 =	vadd.s32 v11, v15;
	v53 =	vperm.xlane v15, v7;
	v54 =	vperm.xlane v15, v3  }
0x4e: {  	v43 =	vld [tilespmem:s17+$0x1000];
	v26 =	vadd.s32 v1, v15;
	v27 =	vadd.s32 v9, v15;
	v28 =	vperm.xlane v15, v4  }
0x4f: {  	v55 =	vadd.s32 v10, v15;
	v15 =	vperm.xlane v15, v5;
	v45 =	vadd.s32 v20, v19  }
0x50: {  	v17 =	vadd.s32 v46, v45;
	vm9 =	vlt.s32 v52, v26  }
0x51: {  	vm1 =	vlt.s32 v54, v27;
	vm10 =	vlt.s32 v28, v55;
	vm11 =	vlt.s32 v15, v50  }
0x52: {  	vm8 =	vgt.u32 v17, $0x3;
	v56 =	vsel vm9, $0x1, v2;
	v57 =	vsel vm1, $0x1, v2  }
0x53: {  	v59 =	vsel vm10, $0x1, v2;
	v17 =	vnsel vm8, $0x0, v43;
	v58 =	vadd.s32 v57, v56  }
0x54: {  	vm12 =	vlt.s32 v51, v47;
	v60 =	vsel vm11, $0x1, v2;
	[tilespmem:s17+$0x2000] =	vst v17;
	v15 =	vadd.s32 v59, v58  }
0x55: {  	vm13 =	vlt.s32 v53, v48;
	v61 =	vsel vm12, $0x1, v2;
	v15 =	vadd.s32 v60, v15;
	v62 =	vld [tilespmem:s16+$0x1000]  }
0x56: {  	vm14 =	vlt.s32 v49, v16;
	v63 =	vsel vm13, $0x1, v2;
	v15 =	vadd.s32 v61, v15  }
0x57: {  	v16 =	vsel vm14, $0x1, v2;
	v15 =	vadd.s32 v63, v15  }
0x58: {  	v15 =	vadd.s32 v16, v15  }
0x59: {  	s13 =	sadd.s32 $0x1, s13;
	vm15 =	vgt.u32 v15, $0x3  }
0x5a: {  	s15 =	sadd.s32 s5, s15;
	p0 =	sne.s32 s13, $0x30;
	v15 =	vnsel vm15, $0x0, v62  }
.Ltmp1:
0x5b: {  	s14 =	sadd.s32 s14, s15;
	[tilespmem:s16+$0x2000] =	vst v15;
	(pc) =	sbr.rel @p0 .LBB2_2-.Ltmp1, $4  }
0x5c: {  	[hbm4b:s14+s8] =	stream.strided.scatter [tilespmem:s12], [sflag:$0x1], $0x1000, s9, s8, $0x38;
	[tilespmem:$0x3000] =	vst v63  }
0x5d: {  	_ =	swait.ge [sflag:s10], $0x1000  }
0x5e: {  	[sflag:s10] =	ssyncset.done $0x0  }
0x5f: {  	[sflag:s10] =	ssyncadd.s32 $0xFFFFF000  }
0x60: {  	s4 =	sadd.s32 $0x1, s4  }
0x61: {  	p0 =	sne.s32 s4, s7  }
.Ltmp2:
0x62: {  	_ = 	snop;
	(pc) =	sbr.rel @p0 .LBB2_1-.Ltmp2, $1  }
0x63: {  	_ =	sdelay $0x3  }
0x64: {  	_ =	sfence.sel $0x180000  }
0x65: {  	[bflag:$0x0] =	sbarrier.arrive $0xFFFF  }
0x66: {  	p0 =	sne.s32 s3, $0x0;
	_ =	strace $0x90000047  }
0x67: {  	s0 =	sadd.s32 @!p0 $0x100000, s2;
	[bflag:$0x2] =	sbarrier.arrive $0xFFFF  }
0x68: {  	[sflag:s0] =	ssyncadd.tile.s32 @!p0 $0x1;
	_ =	shalt  }
.Lfunc_end2:
_tile_overlayer_lowered:
.L_overlay_start_2:
0x69: {  	(tag) =	ssettag $0x2  }
0x6a: {  	s0 =	rddreg [dreg:$0x0];
	s2 =	stileid.u32  }
0x6b: {  	s1 =	rddreg [dreg:$0x1];
	p0 =	sne.s32 s2, $0x0  }
0x6c: {  	s3 =	rddreg [dreg:$0x2];
	[bflag:$0x3] =	sbarrier.arrive $0xFFFF;
	s2 =	simm.s32 @!p0 $0x1C01  }
0x6d: {  	[timem:s3], [sflag:s2] =	dma.local @!p0 [hbm:s0], s1  }
0x6e: {  	s0 =	simm.s32 @!p0 $0x1  }
0x6f: {  	_ =	swait.ge @!p0 [sflag:s0], s1  }
0x70: {  	s1 =	ssub.s32 @!p0 $0x0, s1;
	[sflag:s0] =	ssyncset.done @!p0 $0x0  }
0x71: {  	[sflag:s0] =	ssyncadd.s32 @!p0 s1  }
0x72: {  	[bflag:$0x3] =	sbarrier.arrive $0xFFFF  }
0x73: {  	_ =	shalt  }

</sc_bundles>
